<compile_context>
chip_gen: v7x
topology: tpu7x:2x2x1
jax: 0.10.2.dev20260603
libtpu: 0.0.44.dev20260713+nightly
codegen_flags: <defaults>
</compile_context>

<pallas_src>
import functools
import jax
import jax.numpy as jnp
from jax import lax
from jax.experimental import pallas as pl
from jax.experimental.pallas import tpu as pltpu, tpu_sc as plsc

_SIZE = 32000
_SMOOTHING = 0.1
_CONFIDENCE = 1.0 - _SMOOTHING
_EPS = _SMOOTHING / (_SIZE - 2)

_ROWS = 8192
_NC = 2
_NS = 16
_NW = _NC * _NS
_RPW = _ROWS // _NW
_TROWS = 4
_CHUNK = 8
_NDMA = _RPW // _TROWS
_NCHUNK = _NDMA // _CHUNK


def _sc_body(tgt_hbm, out_hbm, tgt_v, row_t, shared_t, idx2, conf2, sem):
    wid = lax.axis_index("s") * _NC + lax.axis_index("c")
    base = wid * _RPW

    pltpu.sync_copy(tgt_hbm.at[pl.ds(base, _RPW)], tgt_v)

    eps_vec = jnp.full((16,), _EPS, jnp.float32)

    def fill_body(j, carry):
        row_t[pl.ds(j * 16, 16)] = eps_vec
        return carry

    lax.fori_loop(0, _SIZE // 16, fill_body, 0)

    @pl.when(lax.axis_index("s") == 0)
    def _publish():
        for k in range(_TROWS):
            pltpu.sync_copy(row_t, shared_t.at[pl.ds(k * _SIZE, _SIZE)])

    plsc.subcore_barrier()

    def round_body(g, carry):
        grp0 = base // _TROWS + g * _CHUNK
        for j in range(_CHUNK):
            off = pl.multiple_of((grp0 + j) * _TROWS * _SIZE, 32000)
            pltpu.make_async_copy(
                shared_t, out_hbm.at[pl.ds(off, _TROWS * _SIZE)], sem
            ).start()
        for j in range(_CHUNK):
            off = pl.multiple_of((grp0 + j) * _TROWS * _SIZE, 32000)
            pltpu.make_async_copy(
                shared_t, out_hbm.at[pl.ds(off, _TROWS * _SIZE)], sem
            ).wait()
        return carry

    lax.fori_loop(0, _NCHUNK, round_body, 0)

    conf_vec = jnp.full((16,), _CONFIDENCE, jnp.float32)
    lane = lax.iota(jnp.int32, 16)
    for j in range(2):
        for t in range(8):
            o = j * 128 + t * 16
            rows16 = base + o + lane
            tgt16 = tgt_v[pl.ds(o, 16)]
            idx2[j, pl.ds(t * 16, 16)] = rows16 * _SIZE + tgt16
            conf2[j, pl.ds(t * 16, 16)] = conf_vec

    for j in range(2):
        pltpu.make_async_copy(
            conf2.at[j], out_hbm.at[idx2.at[j]], sem
        ).start()
    for j in range(2):
        pltpu.make_async_copy(
            conf2.at[j], out_hbm.at[idx2.at[j]], sem
        ).wait()


def kernel(target):
    mesh = plsc.VectorSubcoreMesh(core_axis_name="c", subcore_axis_name="s")
    sc_call = pl.kernel(
        _sc_body,
        out_type=jax.ShapeDtypeStruct((_ROWS * _SIZE,), jnp.float32),
        mesh=mesh,
        scratch_types=[
            pltpu.VMEM((_RPW,), jnp.int32),
            pltpu.VMEM((_SIZE,), jnp.float32),
            pltpu.VMEM_SHARED((_TROWS * _SIZE,), jnp.float32),
            pltpu.VMEM((2, 128), jnp.int32),
            pltpu.VMEM((2, 128), jnp.float32),
            pltpu.SemaphoreType.DMA,
        ],
    )
    out_flat = sc_call(target.astype(jnp.int32))
    return out_flat.reshape(_ROWS, _SIZE)

# --- scband reference (transcript-rebuilt; emitter-appended) ---
"""Pipeline reference for scband-label-smoothing-16260746182845 (READ-ONLY COPY).

The authoritative reference and input builder live on the scoring server;
editing this copy changes nothing except your own understanding.
"""

import jax, jax.numpy as jnp
import numpy as np

SIZE = 32000
SMOOTHING = 0.1
CONFIDENCE = 1.0 - SMOOTHING

def setup_inputs(seed: int = 0) -> dict:
    key = jax.random.key(seed)
    target = jax.random.randint(key, (8192,), 0, SIZE, dtype=jnp.int64) if jax.config.jax_enable_x64 else jax.random.randint(key, (8192,), 0, SIZE, dtype=jnp.int32)
    return {"target": target}

def reference(target):
    # Faithful translation of LabelSmoothing.forward
    eps = SMOOTHING / (SIZE - 2)
    onehot = jax.nn.one_hot(target, SIZE, dtype=jnp.float32)
    starget = onehot * (CONFIDENCE - eps) + eps
    starget = starget.reshape(-1, SIZE)
    # .clone().detach() -> stop_gradient
    starget = jax.lax.stop_gradient(starget)
    return starget

if __name__ == "__main__":
    import jax
    _d = setup_inputs()
    print(jax.jit(kernel)(*tuple(_d.values())))

</pallas_src>

<mosaic_0001>
#map = affine_map<(d0, d1) -> (0)>
module attributes {stable_mosaic.version = 14 : i64} {
  func.func @_sc_body(%arg0: i32, %arg1: i32, %arg2: memref<8192xi32, #tpu.memory_space<hbm>>, %arg3: memref<262144000xf32, #tpu.memory_space<hbm>>, %arg4: memref<256xi32, #tpu.memory_space<vmem>>, %arg5: memref<32000xf32, #tpu.memory_space<vmem>>, %arg6: memref<128000xf32, #tpu.memory_space<vmem_shared>>, %arg7: memref<2x128xi32, #tpu.memory_space<vmem>>, %arg8: memref<2x128xf32, #tpu.memory_space<vmem>>, %arg9: memref<!tpu.dma_semaphore, #tpu.memory_space<semaphore_mem>>) attributes {dimension_semantics = [#tpu.dimension_semantics<core_parallel>, #tpu.dimension_semantics<subcore_parallel>], iteration_bounds = array<i64: 2, 16>, scalar_prefetch = 0 : i64, scratch_operands = 6 : i64, tpu.core_type = #tpu.core_type<sc_vector_subcore>, window_params = [{transform_indices = #map}, {transform_indices = #map}]} {
    %mul3A = arith.constant 2 : i32
    %mul3A_0 = arith.muli %arg1, %mul3A : i32
    %add3A = arith.addi %mul3A_0, %arg0 : i32
    %mul3A_1 = arith.constant 256 : i32
    %mul3A_2 = arith.muli %add3A, %mul3A_1 : i32
    "tpu.region"() ({
      %run_scoped3A = tpu.sem_alloc : memref<!tpu.dma_semaphore, #tpu.memory_space<semaphore_mem>>
      %dma_start3A_423 = tpu.memref_slice %arg2[%mul3A_2] : memref<8192xi32, #tpu.memory_space<hbm>> -> memref<256xi32, #tpu.memory_space<hbm>>
      %dma_start3A_424 = tpu.memref_slice %arg2[%mul3A_2] : memref<8192xi32, #tpu.memory_space<hbm>> -> memref<256xi32, #tpu.memory_space<hbm>>
      tpu.enqueue_dma source(%dma_start3A_424 : memref<256xi32, #tpu.memory_space<hbm>>) target(%arg4 : memref<256xi32, #tpu.memory_space<vmem>>) target_semaphore(%run_scoped3A : memref<!tpu.dma_semaphore, #tpu.memory_space<semaphore_mem>>)
      %dma_wait3A_425 = tpu.memref_slice %arg2[%mul3A_2] : memref<8192xi32, #tpu.memory_space<hbm>> -> memref<256xi32, #tpu.memory_space<hbm>>
      %dma_wait3A_426 = tpu.memref_slice %arg2[%mul3A_2] : memref<8192xi32, #tpu.memory_space<hbm>> -> memref<256xi32, #tpu.memory_space<hbm>>
      tpu.wait_dma2 semaphore(%run_scoped3A : memref<!tpu.dma_semaphore, #tpu.memory_space<semaphore_mem>>) src(%dma_wait3A_426 : memref<256xi32, #tpu.memory_space<hbm>>) dst(%arg4 : memref<256xi32, #tpu.memory_space<vmem>>)
      tpu.yield
    }) : () -> ()
    %broadcast_in_dim3A = arith.constant 3.12519524E-6 : f32
    %broadcast_in_dim3A_3 = vector.broadcast %broadcast_in_dim3A : f32 to vector<16xf32>
    %scan3A = arith.constant 0 : i32
    %scan3A_4 = arith.constant 0 : i32
    %scan3A_5 = arith.constant 2000 : i32
    %scan3A_6 = arith.addi %scan3A_4, %scan3A_5 : i32
    %scan3A_7 = arith.constant 1 : i32
    scf.for %scan3A_423 = %scan3A_4 to %scan3A_6 step %scan3A_7  : i32 {
      %mul3A_424 = arith.constant 16 : i32
      %mul3A_425 = arith.muli %scan3A_423, %mul3A_424 : i32
      %swap3A_426 = arith.index_cast %mul3A_425 : i32 to index
      %swap3A_427 = tpu.vector_load %arg5[%swap3A_426] {strides = array<i32>} : memref<32000xf32, #tpu.memory_space<vmem>>, vector<16xf32>,
      %swap3A_428 = vector.shape_cast %swap3A_427 : vector<16xf32> to vector<16xf32>
      %swap3A_429 = vector.shape_cast %broadcast_in_dim3A_3 : vector<16xf32> to vector<16xf32>
      tpu.vector_store %arg5[%swap3A_426], %swap3A_429 {strides = array<i32>} : memref<32000xf32, #tpu.memory_space<vmem>>, vector<16xf32>,
    }
    %scan3A_8 = arith.constant 2000 : i32
    %eq3A = arith.constant 0 : i32
    %eq3A_9 = arith.cmpi eq, %arg1, %eq3A : i32
    %convert_element_type3A = arith.extui %eq3A_9 : i1 to i32
    %cond3A = arith.constant 0 : i32
    %cond3A_10 = arith.cmpi ne, %convert_element_type3A, %cond3A : i32
    scf.if %cond3A_10 {
      "tpu.region"() ({
        %run_scoped3A = tpu.sem_alloc : memref<!tpu.dma_semaphore, #tpu.memory_space<semaphore_mem>>
        %dma_start3A_423 = arith.constant 0 : i32
        %dma_start3A_424 = tpu.memref_slice %arg6[%dma_start3A_423] : memref<128000xf32, #tpu.memory_space<vmem_shared>> -> memref<32000xf32, #tpu.memory_space<vmem_shared>>
        %dma_start3A_425 = arith.constant 0 : i32
        %dma_start3A_426 = tpu.memref_slice %arg6[%dma_start3A_425] : memref<128000xf32, #tpu.memory_space<vmem_shared>> -> memref<32000xf32, #tpu.memory_space<vmem_shared>>
        tpu.enqueue_dma source(%arg5 : memref<32000xf32, #tpu.memory_space<vmem>>) target(%dma_start3A_426 : memref<32000xf32, #tpu.memory_space<vmem_shared>>) target_semaphore(%run_scoped3A : memref<!tpu.dma_semaphore, #tpu.memory_space<semaphore_mem>>)
        %dma_wait3A_427 = arith.constant 0 : i32
        %dma_wait3A_428 = tpu.memref_slice %arg6[%dma_wait3A_427] : memref<128000xf32, #tpu.memory_space<vmem_shared>> -> memref<32000xf32, #tpu.memory_space<vmem_shared>>
        %dma_wait3A_429 = arith.constant 0 : i32
        %dma_wait3A_430 = tpu.memref_slice %arg6[%dma_wait3A_429] : memref<128000xf32, #tpu.memory_space<vmem_shared>> -> memref<32000xf32, #tpu.memory_space<vmem_shared>>
        tpu.wait_dma2 semaphore(%run_scoped3A : memref<!tpu.dma_semaphore, #tpu.memory_space<semaphore_mem>>) src(%arg5 : memref<32000xf32, #tpu.memory_space<vmem>>) dst(%dma_wait3A_430 : memref<32000xf32, #tpu.memory_space<vmem_shared>>)
        tpu.yield
      }) : () -> ()
      "tpu.region"() ({
        %run_scoped3A = tpu.sem_alloc : memref<!tpu.dma_semaphore, #tpu.memory_space<semaphore_mem>>
        %dma_start3A_423 = arith.constant 32000 : i32
        %dma_start3A_424 = tpu.memref_slice %arg6[%dma_start3A_423] : memref<128000xf32, #tpu.memory_space<vmem_shared>> -> memref<32000xf32, #tpu.memory_space<vmem_shared>>
        %dma_start3A_425 = arith.constant 32000 : i32
        %dma_start3A_426 = tpu.memref_slice %arg6[%dma_start3A_425] : memref<128000xf32, #tpu.memory_space<vmem_shared>> -> memref<32000xf32, #tpu.memory_space<vmem_shared>>
        tpu.enqueue_dma source(%arg5 : memref<32000xf32, #tpu.memory_space<vmem>>) target(%dma_start3A_426 : memref<32000xf32, #tpu.memory_space<vmem_shared>>) target_semaphore(%run_scoped3A : memref<!tpu.dma_semaphore, #tpu.memory_space<semaphore_mem>>)
        %dma_wait3A_427 = arith.constant 32000 : i32
        %dma_wait3A_428 = tpu.memref_slice %arg6[%dma_wait3A_427] : memref<128000xf32, #tpu.memory_space<vmem_shared>> -> memref<32000xf32, #tpu.memory_space<vmem_shared>>
        %dma_wait3A_429 = arith.constant 32000 : i32
        %dma_wait3A_430 = tpu.memref_slice %arg6[%dma_wait3A_429] : memref<128000xf32, #tpu.memory_space<vmem_shared>> -> memref<32000xf32, #tpu.memory_space<vmem_shared>>
        tpu.wait_dma2 semaphore(%run_scoped3A : memref<!tpu.dma_semaphore, #tpu.memory_space<semaphore_mem>>) src(%arg5 : memref<32000xf32, #tpu.memory_space<vmem>>) dst(%dma_wait3A_430 : memref<32000xf32, #tpu.memory_space<vmem_shared>>)
        tpu.yield
      }) : () -> ()
      "tpu.region"() ({
        %run_scoped3A = tpu.sem_alloc : memref<!tpu.dma_semaphore, #tpu.memory_space<semaphore_mem>>
        %dma_start3A_423 = arith.constant 64000 : i32
        %dma_start3A_424 = tpu.memref_slice %arg6[%dma_start3A_423] : memref<128000xf32, #tpu.memory_space<vmem_shared>> -> memref<32000xf32, #tpu.memory_space<vmem_shared>>
        %dma_start3A_425 = arith.constant 64000 : i32
        %dma_start3A_426 = tpu.memref_slice %arg6[%dma_start3A_425] : memref<128000xf32, #tpu.memory_space<vmem_shared>> -> memref<32000xf32, #tpu.memory_space<vmem_shared>>
        tpu.enqueue_dma source(%arg5 : memref<32000xf32, #tpu.memory_space<vmem>>) target(%dma_start3A_426 : memref<32000xf32, #tpu.memory_space<vmem_shared>>) target_semaphore(%run_scoped3A : memref<!tpu.dma_semaphore, #tpu.memory_space<semaphore_mem>>)
        %dma_wait3A_427 = arith.constant 64000 : i32
        %dma_wait3A_428 = tpu.memref_slice %arg6[%dma_wait3A_427] : memref<128000xf32, #tpu.memory_space<vmem_shared>> -> memref<32000xf32, #tpu.memory_space<vmem_shared>>
        %dma_wait3A_429 = arith.constant 64000 : i32
        %dma_wait3A_430 = tpu.memref_slice %arg6[%dma_wait3A_429] : memref<128000xf32, #tpu.memory_space<vmem_shared>> -> memref<32000xf32, #tpu.memory_space<vmem_shared>>
        tpu.wait_dma2 semaphore(%run_scoped3A : memref<!tpu.dma_semaphore, #tpu.memory_space<semaphore_mem>>) src(%arg5 : memref<32000xf32, #tpu.memory_space<vmem>>) dst(%dma_wait3A_430 : memref<32000xf32, #tpu.memory_space<vmem_shared>>)
        tpu.yield
      }) : () -> ()
      "tpu.region"() ({
        %run_scoped3A = tpu.sem_alloc : memref<!tpu.dma_semaphore, #tpu.memory_space<semaphore_mem>>
        %dma_start3A_423 = arith.constant 96000 : i32
        %dma_start3A_424 = tpu.memref_slice %arg6[%dma_start3A_423] : memref<128000xf32, #tpu.memory_space<vmem_shared>> -> memref<32000xf32, #tpu.memory_space<vmem_shared>>
        %dma_start3A_425 = arith.constant 96000 : i32
        %dma_start3A_426 = tpu.memref_slice %arg6[%dma_start3A_425] : memref<128000xf32, #tpu.memory_space<vmem_shared>> -> memref<32000xf32, #tpu.memory_space<vmem_shared>>
        tpu.enqueue_dma source(%arg5 : memref<32000xf32, #tpu.memory_space<vmem>>) target(%dma_start3A_426 : memref<32000xf32, #tpu.memory_space<vmem_shared>>) target_semaphore(%run_scoped3A : memref<!tpu.dma_semaphore, #tpu.memory_space<semaphore_mem>>)
        %dma_wait3A_427 = arith.constant 96000 : i32
        %dma_wait3A_428 = tpu.memref_slice %arg6[%dma_wait3A_427] : memref<128000xf32, #tpu.memory_space<vmem_shared>> -> memref<32000xf32, #tpu.memory_space<vmem_shared>>
        %dma_wait3A_429 = arith.constant 96000 : i32
        %dma_wait3A_430 = tpu.memref_slice %arg6[%dma_wait3A_429] : memref<128000xf32, #tpu.memory_space<vmem_shared>> -> memref<32000xf32, #tpu.memory_space<vmem_shared>>
        tpu.wait_dma2 semaphore(%run_scoped3A : memref<!tpu.dma_semaphore, #tpu.memory_space<semaphore_mem>>) src(%arg5 : memref<32000xf32, #tpu.memory_space<vmem>>) dst(%dma_wait3A_430 : memref<32000xf32, #tpu.memory_space<vmem_shared>>)
        tpu.yield
      }) : () -> ()
    } else {
    }
    %barrier3A = arith.constant 0 : index
    tpu.barrier barrier_id(%barrier3A)
    %scan3A_11 = arith.constant 0 : i32
    %scan3A_12 = arith.constant 0 : i32
    %scan3A_13 = arith.constant 8 : i32
    %scan3A_14 = arith.addi %scan3A_12, %scan3A_13 : i32
    %scan3A_15 = arith.constant 1 : i32
    scf.for %scan3A_423 = %scan3A_12 to %scan3A_14 step %scan3A_15  : i32 {
      %jit3A = arith.constant 4 : i32
      %div3A = arith.divsi %mul3A_2, %jit3A : i32
      %sign3A = arith.constant 0 : i32
      %sign3A_424 = arith.cmpi sgt, %mul3A_2, %sign3A : i32
      %sign3A_425 = arith.extui %sign3A_424 : i1 to i32
      %sign3A_426 = arith.constant 0 : i32
      %sign3A_427 = arith.cmpi slt, %mul3A_2, %sign3A_426 : i32
      %sign3A_428 = arith.extui %sign3A_427 : i1 to i32
      %sign3A_429 = arith.subi %sign3A_425, %sign3A_428 : i32
      %sign3A_430 = arith.constant 0 : i32
      %sign3A_431 = arith.cmpi sgt, %jit3A, %sign3A_430 : i32
      %sign3A_432 = arith.extui %sign3A_431 : i1 to i32
      %sign3A_433 = arith.constant 0 : i32
      %sign3A_434 = arith.cmpi slt, %jit3A, %sign3A_433 : i32
      %sign3A_435 = arith.extui %sign3A_434 : i1 to i32
      %sign3A_436 = arith.subi %sign3A_432, %sign3A_435 : i32
      %ne3A = arith.cmpi ne, %sign3A_429, %sign3A_436 : i32
      %rem3A = arith.remsi %mul3A_2, %jit3A : i32
      %ne3A_437 = arith.constant 0 : i32
      %ne3A_438 = arith.cmpi ne, %rem3A, %ne3A_437 : i32
      %and3A = arith.andi %ne3A, %ne3A_438 : i1
      %sub3A = arith.constant 1 : i32
      %sub3A_439 = arith.subi %div3A, %sub3A : i32
      %select_n3A = arith.select %and3A, %sub3A_439, %div3A : i32
      %mul3A_440 = arith.constant 8 : i32
      %mul3A_441 = arith.muli %scan3A_423, %mul3A_440 : i32
      %add3A_442 = arith.addi %select_n3A, %mul3A_441 : i32
      %add3A_443 = arith.constant 0 : i32
      %add3A_444 = arith.addi %add3A_442, %add3A_443 : i32
      %mul3A_445 = arith.constant 4 : i32
      %mul3A_446 = arith.muli %add3A_444, %mul3A_445 : i32
      %mul3A_447 = arith.constant 32000 : i32
      %mul3A_448 = arith.muli %mul3A_446, %mul3A_447 : i32
      %multiple_of3A = tpu.assume_multiple %mul3A_448, 32000 : i32
      %dma_start3A_449 = tpu.memref_slice %arg3[%multiple_of3A] : memref<262144000xf32, #tpu.memory_space<hbm>> -> memref<128000xf32, #tpu.memory_space<hbm>>
      tpu.enqueue_dma source(%arg6 : memref<128000xf32, #tpu.memory_space<vmem_shared>>) target(%dma_start3A_449 : memref<128000xf32, #tpu.memory_space<hbm>>) target_semaphore(%arg9 : memref<!tpu.dma_semaphore, #tpu.memory_space<semaphore_mem>>)
      %add3A_450 = arith.constant 1 : i32
      %add3A_451 = arith.addi %add3A_442, %add3A_450 : i32
      %mul3A_452 = arith.constant 4 : i32
      %mul3A_453 = arith.muli %add3A_451, %mul3A_452 : i32
      %mul3A_454 = arith.constant 32000 : i32
      %mul3A_455 = arith.muli %mul3A_453, %mul3A_454 : i32
      %multiple_of3A_456 = tpu.assume_multiple %mul3A_455, 32000 : i32
      %dma_start3A_457 = tpu.memref_slice %arg3[%multiple_of3A_456] : memref<262144000xf32, #tpu.memory_space<hbm>> -> memref<128000xf32, #tpu.memory_space<hbm>>
      tpu.enqueue_dma source(%arg6 : memref<128000xf32, #tpu.memory_space<vmem_shared>>) target(%dma_start3A_457 : memref<128000xf32, #tpu.memory_space<hbm>>) target_semaphore(%arg9 : memref<!tpu.dma_semaphore, #tpu.memory_space<semaphore_mem>>)
      %add3A_458 = arith.constant 2 : i32
      %add3A_459 = arith.addi %add3A_442, %add3A_458 : i32
      %mul3A_460 = arith.constant 4 : i32
      %mul3A_461 = arith.muli %add3A_459, %mul3A_460 : i32
      %mul3A_462 = arith.constant 32000 : i32
      %mul3A_463 = arith.muli %mul3A_461, %mul3A_462 : i32
      %multiple_of3A_464 = tpu.assume_multiple %mul3A_463, 32000 : i32
      %dma_start3A_465 = tpu.memref_slice %arg3[%multiple_of3A_464] : memref<262144000xf32, #tpu.memory_space<hbm>> -> memref<128000xf32, #tpu.memory_space<hbm>>
      tpu.enqueue_dma source(%arg6 : memref<128000xf32, #tpu.memory_space<vmem_shared>>) target(%dma_start3A_465 : memref<128000xf32, #tpu.memory_space<hbm>>) target_semaphore(%arg9 : memref<!tpu.dma_semaphore, #tpu.memory_space<semaphore_mem>>)
      %add3A_466 = arith.constant 3 : i32
      %add3A_467 = arith.addi %add3A_442, %add3A_466 : i32
      %mul3A_468 = arith.constant 4 : i32
      %mul3A_469 = arith.muli %add3A_467, %mul3A_468 : i32
      %mul3A_470 = arith.constant 32000 : i32
      %mul3A_471 = arith.muli %mul3A_469, %mul3A_470 : i32
      %multiple_of3A_472 = tpu.assume_multiple %mul3A_471, 32000 : i32
      %dma_start3A_473 = tpu.memref_slice %arg3[%multiple_of3A_472] : memref<262144000xf32, #tpu.memory_space<hbm>> -> memref<128000xf32, #tpu.memory_space<hbm>>
      tpu.enqueue_dma source(%arg6 : memref<128000xf32, #tpu.memory_space<vmem_shared>>) target(%dma_start3A_473 : memref<128000xf32, #tpu.memory_space<hbm>>) target_semaphore(%arg9 : memref<!tpu.dma_semaphore, #tpu.memory_space<semaphore_mem>>)
      %add3A_474 = arith.constant 4 : i32
      %add3A_475 = arith.addi %add3A_442, %add3A_474 : i32
      %mul3A_476 = arith.constant 4 : i32
      %mul3A_477 = arith.muli %add3A_475, %mul3A_476 : i32
      %mul3A_478 = arith.constant 32000 : i32
      %mul3A_479 = arith.muli %mul3A_477, %mul3A_478 : i32
      %multiple_of3A_480 = tpu.assume_multiple %mul3A_479, 32000 : i32
      %dma_start3A_481 = tpu.memref_slice %arg3[%multiple_of3A_480] : memref<262144000xf32, #tpu.memory_space<hbm>> -> memref<128000xf32, #tpu.memory_space<hbm>>
      tpu.enqueue_dma source(%arg6 : memref<128000xf32, #tpu.memory_space<vmem_shared>>) target(%dma_start3A_481 : memref<128000xf32, #tpu.memory_space<hbm>>) target_semaphore(%arg9 : memref<!tpu.dma_semaphore, #tpu.memory_space<semaphore_mem>>)
      %add3A_482 = arith.constant 5 : i32
      %add3A_483 = arith.addi %add3A_442, %add3A_482 : i32
      %mul3A_484 = arith.constant 4 : i32
      %mul3A_485 = arith.muli %add3A_483, %mul3A_484 : i32
      %mul3A_486 = arith.constant 32000 : i32
      %mul3A_487 = arith.muli %mul3A_485, %mul3A_486 : i32
      %multiple_of3A_488 = tpu.assume_multiple %mul3A_487, 32000 : i32
      %dma_start3A_489 = tpu.memref_slice %arg3[%multiple_of3A_488] : memref<262144000xf32, #tpu.memory_space<hbm>> -> memref<128000xf32, #tpu.memory_space<hbm>>
      tpu.enqueue_dma source(%arg6 : memref<128000xf32, #tpu.memory_space<vmem_shared>>) target(%dma_start3A_489 : memref<128000xf32, #tpu.memory_space<hbm>>) target_semaphore(%arg9 : memref<!tpu.dma_semaphore, #tpu.memory_space<semaphore_mem>>)
      %add3A_490 = arith.constant 6 : i32
      %add3A_491 = arith.addi %add3A_442, %add3A_490 : i32
      %mul3A_492 = arith.constant 4 : i32
      %mul3A_493 = arith.muli %add3A_491, %mul3A_492 : i32
      %mul3A_494 = arith.constant 32000 : i32
      %mul3A_495 = arith.muli %mul3A_493, %mul3A_494 : i32
      %multiple_of3A_496 = tpu.assume_multiple %mul3A_495, 32000 : i32
      %dma_start3A_497 = tpu.memref_slice %arg3[%multiple_of3A_496] : memref<262144000xf32, #tpu.memory_space<hbm>> -> memref<128000xf32, #tpu.memory_space<hbm>>
      tpu.enqueue_dma source(%arg6 : memref<128000xf32, #tpu.memory_space<vmem_shared>>) target(%dma_start3A_497 : memref<128000xf32, #tpu.memory_space<hbm>>) target_semaphore(%arg9 : memref<!tpu.dma_semaphore, #tpu.memory_space<semaphore_mem>>)
      %add3A_498 = arith.constant 7 : i32
      %add3A_499 = arith.addi %add3A_442, %add3A_498 : i32
      %mul3A_500 = arith.constant 4 : i32
      %mul3A_501 = arith.muli %add3A_499, %mul3A_500 : i32
      %mul3A_502 = arith.constant 32000 : i32
      %mul3A_503 = arith.muli %mul3A_501, %mul3A_502 : i32
      %multiple_of3A_504 = tpu.assume_multiple %mul3A_503, 32000 : i32
      %dma_start3A_505 = tpu.memref_slice %arg3[%multiple_of3A_504] : memref<262144000xf32, #tpu.memory_space<hbm>> -> memref<128000xf32, #tpu.memory_space<hbm>>
      tpu.enqueue_dma source(%arg6 : memref<128000xf32, #tpu.memory_space<vmem_shared>>) target(%dma_start3A_505 : memref<128000xf32, #tpu.memory_space<hbm>>) target_semaphore(%arg9 : memref<!tpu.dma_semaphore, #tpu.memory_space<semaphore_mem>>)
      %add3A_506 = arith.constant 0 : i32
      %add3A_507 = arith.addi %add3A_442, %add3A_506 : i32
      %mul3A_508 = arith.constant 4 : i32
      %mul3A_509 = arith.muli %add3A_507, %mul3A_508 : i32
      %mul3A_510 = arith.constant 32000 : i32
      %mul3A_511 = arith.muli %mul3A_509, %mul3A_510 : i32
      %multiple_of3A_512 = tpu.assume_multiple %mul3A_511, 32000 : i32
      %dma_wait3A_513 = tpu.memref_slice %arg3[%multiple_of3A_512] : memref<262144000xf32, #tpu.memory_space<hbm>> -> memref<128000xf32, #tpu.memory_space<hbm>>
      tpu.wait_dma2 semaphore(%arg9 : memref<!tpu.dma_semaphore, #tpu.memory_space<semaphore_mem>>) src(%arg6 : memref<128000xf32, #tpu.memory_space<vmem_shared>>) dst(%dma_wait3A_513 : memref<128000xf32, #tpu.memory_space<hbm>>)
      %add3A_514 = arith.constant 1 : i32
      %add3A_515 = arith.addi %add3A_442, %add3A_514 : i32
      %mul3A_516 = arith.constant 4 : i32
      %mul3A_517 = arith.muli %add3A_515, %mul3A_516 : i32
      %mul3A_518 = arith.constant 32000 : i32
      %mul3A_519 = arith.muli %mul3A_517, %mul3A_518 : i32
      %multiple_of3A_520 = tpu.assume_multiple %mul3A_519, 32000 : i32
      %dma_wait3A_521 = tpu.memref_slice %arg3[%multiple_of3A_520] : memref<262144000xf32, #tpu.memory_space<hbm>> -> memref<128000xf32, #tpu.memory_space<hbm>>
      tpu.wait_dma2 semaphore(%arg9 : memref<!tpu.dma_semaphore, #tpu.memory_space<semaphore_mem>>) src(%arg6 : memref<128000xf32, #tpu.memory_space<vmem_shared>>) dst(%dma_wait3A_521 : memref<128000xf32, #tpu.memory_space<hbm>>)
      %add3A_522 = arith.constant 2 : i32
      %add3A_523 = arith.addi %add3A_442, %add3A_522 : i32
      %mul3A_524 = arith.constant 4 : i32
      %mul3A_525 = arith.muli %add3A_523, %mul3A_524 : i32
      %mul3A_526 = arith.constant 32000 : i32
      %mul3A_527 = arith.muli %mul3A_525, %mul3A_526 : i32
      %multiple_of3A_528 = tpu.assume_multiple %mul3A_527, 32000 : i32
      %dma_wait3A_529 = tpu.memref_slice %arg3[%multiple_of3A_528] : memref<262144000xf32, #tpu.memory_space<hbm>> -> memref<128000xf32, #tpu.memory_space<hbm>>
      tpu.wait_dma2 semaphore(%arg9 : memref<!tpu.dma_semaphore, #tpu.memory_space<semaphore_mem>>) src(%arg6 : memref<128000xf32, #tpu.memory_space<vmem_shared>>) dst(%dma_wait3A_529 : memref<128000xf32, #tpu.memory_space<hbm>>)
      %add3A_530 = arith.constant 3 : i32
      %add3A_531 = arith.addi %add3A_442, %add3A_530 : i32
      %mul3A_532 = arith.constant 4 : i32
      %mul3A_533 = arith.muli %add3A_531, %mul3A_532 : i32
      %mul3A_534 = arith.constant 32000 : i32
      %mul3A_535 = arith.muli %mul3A_533, %mul3A_534 : i32
      %multiple_of3A_536 = tpu.assume_multiple %mul3A_535, 32000 : i32
      %dma_wait3A_537 = tpu.memref_slice %arg3[%multiple_of3A_536] : memref<262144000xf32, #tpu.memory_space<hbm>> -> memref<128000xf32, #tpu.memory_space<hbm>>
      tpu.wait_dma2 semaphore(%arg9 : memref<!tpu.dma_semaphore, #tpu.memory_space<semaphore_mem>>) src(%arg6 : memref<128000xf32, #tpu.memory_space<vmem_shared>>) dst(%dma_wait3A_537 : memref<128000xf32, #tpu.memory_space<hbm>>)
      %add3A_538 = arith.constant 4 : i32
      %add3A_539 = arith.addi %add3A_442, %add3A_538 : i32
      %mul3A_540 = arith.constant 4 : i32
      %mul3A_541 = arith.muli %add3A_539, %mul3A_540 : i32
      %mul3A_542 = arith.constant 32000 : i32
      %mul3A_543 = arith.muli %mul3A_541, %mul3A_542 : i32
      %multiple_of3A_544 = tpu.assume_multiple %mul3A_543, 32000 : i32
      %dma_wait3A_545 = tpu.memref_slice %arg3[%multiple_of3A_544] : memref<262144000xf32, #tpu.memory_space<hbm>> -> memref<128000xf32, #tpu.memory_space<hbm>>
      tpu.wait_dma2 semaphore(%arg9 : memref<!tpu.dma_semaphore, #tpu.memory_space<semaphore_mem>>) src(%arg6 : memref<128000xf32, #tpu.memory_space<vmem_shared>>) dst(%dma_wait3A_545 : memref<128000xf32, #tpu.memory_space<hbm>>)
      %add3A_546 = arith.constant 5 : i32
      %add3A_547 = arith.addi %add3A_442, %add3A_546 : i32
      %mul3A_548 = arith.constant 4 : i32
      %mul3A_549 = arith.muli %add3A_547, %mul3A_548 : i32
      %mul3A_550 = arith.constant 32000 : i32
      %mul3A_551 = arith.muli %mul3A_549, %mul3A_550 : i32
      %multiple_of3A_552 = tpu.assume_multiple %mul3A_551, 32000 : i32
      %dma_wait3A_553 = tpu.memref_slice %arg3[%multiple_of3A_552] : memref<262144000xf32, #tpu.memory_space<hbm>> -> memref<128000xf32, #tpu.memory_space<hbm>>
      tpu.wait_dma2 semaphore(%arg9 : memref<!tpu.dma_semaphore, #tpu.memory_space<semaphore_mem>>) src(%arg6 : memref<128000xf32, #tpu.memory_space<vmem_shared>>) dst(%dma_wait3A_553 : memref<128000xf32, #tpu.memory_space<hbm>>)
      %add3A_554 = arith.constant 6 : i32
      %add3A_555 = arith.addi %add3A_442, %add3A_554 : i32
      %mul3A_556 = arith.constant 4 : i32
      %mul3A_557 = arith.muli %add3A_555, %mul3A_556 : i32
      %mul3A_558 = arith.constant 32000 : i32
      %mul3A_559 = arith.muli %mul3A_557, %mul3A_558 : i32
      %multiple_of3A_560 = tpu.assume_multiple %mul3A_559, 32000 : i32
      %dma_wait3A_561 = tpu.memref_slice %arg3[%multiple_of3A_560] : memref<262144000xf32, #tpu.memory_space<hbm>> -> memref<128000xf32, #tpu.memory_space<hbm>>
      tpu.wait_dma2 semaphore(%arg9 : memref<!tpu.dma_semaphore, #tpu.memory_space<semaphore_mem>>) src(%arg6 : memref<128000xf32, #tpu.memory_space<vmem_shared>>) dst(%dma_wait3A_561 : memref<128000xf32, #tpu.memory_space<hbm>>)
      %add3A_562 = arith.constant 7 : i32
      %add3A_563 = arith.addi %add3A_442, %add3A_562 : i32
      %mul3A_564 = arith.constant 4 : i32
      %mul3A_565 = arith.muli %add3A_563, %mul3A_564 : i32
      %mul3A_566 = arith.constant 32000 : i32
      %mul3A_567 = arith.muli %mul3A_565, %mul3A_566 : i32
      %multiple_of3A_568 = tpu.assume_multiple %mul3A_567, 32000 : i32
      %dma_wait3A_569 = tpu.memref_slice %arg3[%multiple_of3A_568] : memref<262144000xf32, #tpu.memory_space<hbm>> -> memref<128000xf32, #tpu.memory_space<hbm>>
      tpu.wait_dma2 semaphore(%arg9 : memref<!tpu.dma_semaphore, #tpu.memory_space<semaphore_mem>>) src(%arg6 : memref<128000xf32, #tpu.memory_space<vmem_shared>>) dst(%dma_wait3A_569 : memref<128000xf32, #tpu.memory_space<hbm>>)
    }
    %scan3A_16 = arith.constant 8 : i32
    %broadcast_in_dim3A_17 = arith.constant 0.899999976 : f32
    %broadcast_in_dim3A_18 = vector.broadcast %broadcast_in_dim3A_17 : f32 to vector<16xf32>
    %iota3A = tpu.iota {dimensions = array<i32: 0>} : vector<16xi32>
    %add3A_19 = arith.constant 0 : i32
    %add3A_20 = arith.addi %mul3A_2, %add3A_19 : i32
    %add3A_21 = vector.broadcast %add3A_20 : i32 to vector<16xi32>
    %add3A_22 = arith.addi %add3A_21, %iota3A : vector<16xi32>
    %get3A = arith.constant 0 : index
    %get3A_23 = tpu.vector_load %arg4[%get3A] {strides = array<i32>} : memref<256xi32, #tpu.memory_space<vmem>>, vector<16xi32>,
    %get3A_24 = vector.shape_cast %get3A_23 : vector<16xi32> to vector<16xi32>
    %mul3A_25 = arith.constant 32000 : i32
    %mul3A_26 = vector.broadcast %mul3A_25 : i32 to vector<16xi32>
    %mul3A_27 = arith.muli %add3A_22, %mul3A_26 : vector<16xi32>
    %add3A_28 = arith.addi %mul3A_27, %get3A_24 : vector<16xi32>
    %swap3A = arith.constant 0 : i32
    %swap3A_29 = arith.index_cast %swap3A : i32 to index
    %swap3A_30 = arith.constant 0 : index
    %swap3A_31 = tpu.vector_load %arg7[%swap3A_29, %swap3A_30] {strides = array<i32>} : memref<2x128xi32, #tpu.memory_space<vmem>>, vector<1x16xi32>,
    %swap3A_32 = vector.shape_cast %swap3A_31 : vector<1x16xi32> to vector<16xi32>
    %swap3A_33 = vector.shape_cast %add3A_28 : vector<16xi32> to vector<1x16xi32>
    tpu.vector_store %arg7[%swap3A_29, %swap3A_30], %swap3A_33 {strides = array<i32>} : memref<2x128xi32, #tpu.memory_space<vmem>>, vector<1x16xi32>,
    %swap3A_34 = arith.constant 0 : i32
    %swap3A_35 = arith.index_cast %swap3A_34 : i32 to index
    %swap3A_36 = arith.constant 0 : index
    %swap3A_37 = tpu.vector_load %arg8[%swap3A_35, %swap3A_36] {strides = array<i32>} : memref<2x128xf32, #tpu.memory_space<vmem>>, vector<1x16xf32>,
    %swap3A_38 = vector.shape_cast %swap3A_37 : vector<1x16xf32> to vector<16xf32>
    %swap3A_39 = vector.shape_cast %broadcast_in_dim3A_18 : vector<16xf32> to vector<1x16xf32>
    tpu.vector_store %arg8[%swap3A_35, %swap3A_36], %swap3A_39 {strides = array<i32>} : memref<2x128xf32, #tpu.memory_space<vmem>>, vector<1x16xf32>,
    %add3A_40 = arith.constant 16 : i32
    %add3A_41 = arith.addi %mul3A_2, %add3A_40 : i32
    %add3A_42 = vector.broadcast %add3A_41 : i32 to vector<16xi32>
    %add3A_43 = arith.addi %add3A_42, %iota3A : vector<16xi32>
    %get3A_44 = arith.constant 16 : index
    %get3A_45 = tpu.vector_load %arg4[%get3A_44] {strides = array<i32>} : memref<256xi32, #tpu.memory_space<vmem>>, vector<16xi32>,
    %get3A_46 = vector.shape_cast %get3A_45 : vector<16xi32> to vector<16xi32>
    %mul3A_47 = arith.constant 32000 : i32
    %mul3A_48 = vector.broadcast %mul3A_47 : i32 to vector<16xi32>
    %mul3A_49 = arith.muli %add3A_43, %mul3A_48 : vector<16xi32>
    %add3A_50 = arith.addi %mul3A_49, %get3A_46 : vector<16xi32>
    %swap3A_51 = arith.constant 0 : i32
    %swap3A_52 = arith.index_cast %swap3A_51 : i32 to index
    %swap3A_53 = arith.constant 16 : index
    %swap3A_54 = tpu.vector_load %arg7[%swap3A_52, %swap3A_53] {strides = array<i32>} : memref<2x128xi32, #tpu.memory_space<vmem>>, vector<1x16xi32>,
    %swap3A_55 = vector.shape_cast %swap3A_54 : vector<1x16xi32> to vector<16xi32>
    %swap3A_56 = vector.shape_cast %add3A_50 : vector<16xi32> to vector<1x16xi32>
    tpu.vector_store %arg7[%swap3A_52, %swap3A_53], %swap3A_56 {strides = array<i32>} : memref<2x128xi32, #tpu.memory_space<vmem>>, vector<1x16xi32>,
    %swap3A_57 = arith.constant 0 : i32
    %swap3A_58 = arith.index_cast %swap3A_57 : i32 to index
    %swap3A_59 = arith.constant 16 : index
    %swap3A_60 = tpu.vector_load %arg8[%swap3A_58, %swap3A_59] {strides = array<i32>} : memref<2x128xf32, #tpu.memory_space<vmem>>, vector<1x16xf32>,
    %swap3A_61 = vector.shape_cast %swap3A_60 : vector<1x16xf32> to vector<16xf32>
    %swap3A_62 = vector.shape_cast %broadcast_in_dim3A_18 : vector<16xf32> to vector<1x16xf32>
    tpu.vector_store %arg8[%swap3A_58, %swap3A_59], %swap3A_62 {strides = array<i32>} : memref<2x128xf32, #tpu.memory_space<vmem>>, vector<1x16xf32>,
    %add3A_63 = arith.constant 32 : i32
    %add3A_64 = arith.addi %mul3A_2, %add3A_63 : i32
    %add3A_65 = vector.broadcast %add3A_64 : i32 to vector<16xi32>
    %add3A_66 = arith.addi %add3A_65, %iota3A : vector<16xi32>
    %get3A_67 = arith.constant 32 : index
    %get3A_68 = tpu.vector_load %arg4[%get3A_67] {strides = array<i32>} : memref<256xi32, #tpu.memory_space<vmem>>, vector<16xi32>,
    %get3A_69 = vector.shape_cast %get3A_68 : vector<16xi32> to vector<16xi32>
    %mul3A_70 = arith.constant 32000 : i32
    %mul3A_71 = vector.broadcast %mul3A_70 : i32 to vector<16xi32>
    %mul3A_72 = arith.muli %add3A_66, %mul3A_71 : vector<16xi32>
    %add3A_73 = arith.addi %mul3A_72, %get3A_69 : vector<16xi32>
    %swap3A_74 = arith.constant 0 : i32
    %swap3A_75 = arith.index_cast %swap3A_74 : i32 to index
    %swap3A_76 = arith.constant 32 : index
    %swap3A_77 = tpu.vector_load %arg7[%swap3A_75, %swap3A_76] {strides = array<i32>} : memref<2x128xi32, #tpu.memory_space<vmem>>, vector<1x16xi32>,
    %swap3A_78 = vector.shape_cast %swap3A_77 : vector<1x16xi32> to vector<16xi32>
    %swap3A_79 = vector.shape_cast %add3A_73 : vector<16xi32> to vector<1x16xi32>
    tpu.vector_store %arg7[%swap3A_75, %swap3A_76], %swap3A_79 {strides = array<i32>} : memref<2x128xi32, #tpu.memory_space<vmem>>, vector<1x16xi32>,
    %swap3A_80 = arith.constant 0 : i32
    %swap3A_81 = arith.index_cast %swap3A_80 : i32 to index
    %swap3A_82 = arith.constant 32 : index
    %swap3A_83 = tpu.vector_load %arg8[%swap3A_81, %swap3A_82] {strides = array<i32>} : memref<2x128xf32, #tpu.memory_space<vmem>>, vector<1x16xf32>,
    %swap3A_84 = vector.shape_cast %swap3A_83 : vector<1x16xf32> to vector<16xf32>
    %swap3A_85 = vector.shape_cast %broadcast_in_dim3A_18 : vector<16xf32> to vector<1x16xf32>
    tpu.vector_store %arg8[%swap3A_81, %swap3A_82], %swap3A_85 {strides = array<i32>} : memref<2x128xf32, #tpu.memory_space<vmem>>, vector<1x16xf32>,
    %add3A_86 = arith.constant 48 : i32
    %add3A_87 = arith.addi %mul3A_2, %add3A_86 : i32
    %add3A_88 = vector.broadcast %add3A_87 : i32 to vector<16xi32>
    %add3A_89 = arith.addi %add3A_88, %iota3A : vector<16xi32>
    %get3A_90 = arith.constant 48 : index
    %get3A_91 = tpu.vector_load %arg4[%get3A_90] {strides = array<i32>} : memref<256xi32, #tpu.memory_space<vmem>>, vector<16xi32>,
    %get3A_92 = vector.shape_cast %get3A_91 : vector<16xi32> to vector<16xi32>
    %mul3A_93 = arith.constant 32000 : i32
    %mul3A_94 = vector.broadcast %mul3A_93 : i32 to vector<16xi32>
    %mul3A_95 = arith.muli %add3A_89, %mul3A_94 : vector<16xi32>
    %add3A_96 = arith.addi %mul3A_95, %get3A_92 : vector<16xi32>
    %swap3A_97 = arith.constant 0 : i32
    %swap3A_98 = arith.index_cast %swap3A_97 : i32 to index
    %swap3A_99 = arith.constant 48 : index
    %swap3A_100 = tpu.vector_load %arg7[%swap3A_98, %swap3A_99] {strides = array<i32>} : memref<2x128xi32, #tpu.memory_space<vmem>>, vector<1x16xi32>,
    %swap3A_101 = vector.shape_cast %swap3A_100 : vector<1x16xi32> to vector<16xi32>
    %swap3A_102 = vector.shape_cast %add3A_96 : vector<16xi32> to vector<1x16xi32>
    tpu.vector_store %arg7[%swap3A_98, %swap3A_99], %swap3A_102 {strides = array<i32>} : memref<2x128xi32, #tpu.memory_space<vmem>>, vector<1x16xi32>,
    %swap3A_103 = arith.constant 0 : i32
    %swap3A_104 = arith.index_cast %swap3A_103 : i32 to index
    %swap3A_105 = arith.constant 48 : index
    %swap3A_106 = tpu.vector_load %arg8[%swap3A_104, %swap3A_105] {strides = array<i32>} : memref<2x128xf32, #tpu.memory_space<vmem>>, vector<1x16xf32>,
    %swap3A_107 = vector.shape_cast %swap3A_106 : vector<1x16xf32> to vector<16xf32>
    %swap3A_108 = vector.shape_cast %broadcast_in_dim3A_18 : vector<16xf32> to vector<1x16xf32>
    tpu.vector_store %arg8[%swap3A_104, %swap3A_105], %swap3A_108 {strides = array<i32>} : memref<2x128xf32, #tpu.memory_space<vmem>>, vector<1x16xf32>,
    %add3A_109 = arith.constant 64 : i32
    %add3A_110 = arith.addi %mul3A_2, %add3A_109 : i32
    %add3A_111 = vector.broadcast %add3A_110 : i32 to vector<16xi32>
    %add3A_112 = arith.addi %add3A_111, %iota3A : vector<16xi32>
    %get3A_113 = arith.constant 64 : index
    %get3A_114 = tpu.vector_load %arg4[%get3A_113] {strides = array<i32>} : memref<256xi32, #tpu.memory_space<vmem>>, vector<16xi32>,
    %get3A_115 = vector.shape_cast %get3A_114 : vector<16xi32> to vector<16xi32>
    %mul3A_116 = arith.constant 32000 : i32
    %mul3A_117 = vector.broadcast %mul3A_116 : i32 to vector<16xi32>
    %mul3A_118 = arith.muli %add3A_112, %mul3A_117 : vector<16xi32>
    %add3A_119 = arith.addi %mul3A_118, %get3A_115 : vector<16xi32>
    %swap3A_120 = arith.constant 0 : i32
    %swap3A_121 = arith.index_cast %swap3A_120 : i32 to index
    %swap3A_122 = arith.constant 64 : index
    %swap3A_123 = tpu.vector_load %arg7[%swap3A_121, %swap3A_122] {strides = array<i32>} : memref<2x128xi32, #tpu.memory_space<vmem>>, vector<1x16xi32>,
    %swap3A_124 = vector.shape_cast %swap3A_123 : vector<1x16xi32> to vector<16xi32>
    %swap3A_125 = vector.shape_cast %add3A_119 : vector<16xi32> to vector<1x16xi32>
    tpu.vector_store %arg7[%swap3A_121, %swap3A_122], %swap3A_125 {strides = array<i32>} : memref<2x128xi32, #tpu.memory_space<vmem>>, vector<1x16xi32>,
    %swap3A_126 = arith.constant 0 : i32
    %swap3A_127 = arith.index_cast %swap3A_126 : i32 to index
    %swap3A_128 = arith.constant 64 : index
    %swap3A_129 = tpu.vector_load %arg8[%swap3A_127, %swap3A_128] {strides = array<i32>} : memref<2x128xf32, #tpu.memory_space<vmem>>, vector<1x16xf32>,
    %swap3A_130 = vector.shape_cast %swap3A_129 : vector<1x16xf32> to vector<16xf32>
    %swap3A_131 = vector.shape_cast %broadcast_in_dim3A_18 : vector<16xf32> to vector<1x16xf32>
    tpu.vector_store %arg8[%swap3A_127, %swap3A_128], %swap3A_131 {strides = array<i32>} : memref<2x128xf32, #tpu.memory_space<vmem>>, vector<1x16xf32>,
    %add3A_132 = arith.constant 80 : i32
    %add3A_133 = arith.addi %mul3A_2, %add3A_132 : i32
    %add3A_134 = vector.broadcast %add3A_133 : i32 to vector<16xi32>
    %add3A_135 = arith.addi %add3A_134, %iota3A : vector<16xi32>
    %get3A_136 = arith.constant 80 : index
    %get3A_137 = tpu.vector_load %arg4[%get3A_136] {strides = array<i32>} : memref<256xi32, #tpu.memory_space<vmem>>, vector<16xi32>,
    %get3A_138 = vector.shape_cast %get3A_137 : vector<16xi32> to vector<16xi32>
    %mul3A_139 = arith.constant 32000 : i32
    %mul3A_140 = vector.broadcast %mul3A_139 : i32 to vector<16xi32>
    %mul3A_141 = arith.muli %add3A_135, %mul3A_140 : vector<16xi32>
    %add3A_142 = arith.addi %mul3A_141, %get3A_138 : vector<16xi32>
    %swap3A_143 = arith.constant 0 : i32
    %swap3A_144 = arith.index_cast %swap3A_143 : i32 to index
    %swap3A_145 = arith.constant 80 : index
    %swap3A_146 = tpu.vector_load %arg7[%swap3A_144, %swap3A_145] {strides = array<i32>} : memref<2x128xi32, #tpu.memory_space<vmem>>, vector<1x16xi32>,
    %swap3A_147 = vector.shape_cast %swap3A_146 : vector<1x16xi32> to vector<16xi32>
    %swap3A_148 = vector.shape_cast %add3A_142 : vector<16xi32> to vector<1x16xi32>
    tpu.vector_store %arg7[%swap3A_144, %swap3A_145], %swap3A_148 {strides = array<i32>} : memref<2x128xi32, #tpu.memory_space<vmem>>, vector<1x16xi32>,
    %swap3A_149 = arith.constant 0 : i32
    %swap3A_150 = arith.index_cast %swap3A_149 : i32 to index
    %swap3A_151 = arith.constant 80 : index
    %swap3A_152 = tpu.vector_load %arg8[%swap3A_150, %swap3A_151] {strides = array<i32>} : memref<2x128xf32, #tpu.memory_space<vmem>>, vector<1x16xf32>,
    %swap3A_153 = vector.shape_cast %swap3A_152 : vector<1x16xf32> to vector<16xf32>
    %swap3A_154 = vector.shape_cast %broadcast_in_dim3A_18 : vector<16xf32> to vector<1x16xf32>
    tpu.vector_store %arg8[%swap3A_150, %swap3A_151], %swap3A_154 {strides = array<i32>} : memref<2x128xf32, #tpu.memory_space<vmem>>, vector<1x16xf32>,
    %add3A_155 = arith.constant 96 : i32
    %add3A_156 = arith.addi %mul3A_2, %add3A_155 : i32
    %add3A_157 = vector.broadcast %add3A_156 : i32 to vector<16xi32>
    %add3A_158 = arith.addi %add3A_157, %iota3A : vector<16xi32>
    %get3A_159 = arith.constant 96 : index
    %get3A_160 = tpu.vector_load %arg4[%get3A_159] {strides = array<i32>} : memref<256xi32, #tpu.memory_space<vmem>>, vector<16xi32>,
    %get3A_161 = vector.shape_cast %get3A_160 : vector<16xi32> to vector<16xi32>
    %mul3A_162 = arith.constant 32000 : i32
    %mul3A_163 = vector.broadcast %mul3A_162 : i32 to vector<16xi32>
    %mul3A_164 = arith.muli %add3A_158, %mul3A_163 : vector<16xi32>
    %add3A_165 = arith.addi %mul3A_164, %get3A_161 : vector<16xi32>
    %swap3A_166 = arith.constant 0 : i32
    %swap3A_167 = arith.index_cast %swap3A_166 : i32 to index
    %swap3A_168 = arith.constant 96 : index
    %swap3A_169 = tpu.vector_load %arg7[%swap3A_167, %swap3A_168] {strides = array<i32>} : memref<2x128xi32, #tpu.memory_space<vmem>>, vector<1x16xi32>,
    %swap3A_170 = vector.shape_cast %swap3A_169 : vector<1x16xi32> to vector<16xi32>
    %swap3A_171 = vector.shape_cast %add3A_165 : vector<16xi32> to vector<1x16xi32>
    tpu.vector_store %arg7[%swap3A_167, %swap3A_168], %swap3A_171 {strides = array<i32>} : memref<2x128xi32, #tpu.memory_space<vmem>>, vector<1x16xi32>,
    %swap3A_172 = arith.constant 0 : i32
    %swap3A_173 = arith.index_cast %swap3A_172 : i32 to index
    %swap3A_174 = arith.constant 96 : index
    %swap3A_175 = tpu.vector_load %arg8[%swap3A_173, %swap3A_174] {strides = array<i32>} : memref<2x128xf32, #tpu.memory_space<vmem>>, vector<1x16xf32>,
    %swap3A_176 = vector.shape_cast %swap3A_175 : vector<1x16xf32> to vector<16xf32>
    %swap3A_177 = vector.shape_cast %broadcast_in_dim3A_18 : vector<16xf32> to vector<1x16xf32>
    tpu.vector_store %arg8[%swap3A_173, %swap3A_174], %swap3A_177 {strides = array<i32>} : memref<2x128xf32, #tpu.memory_space<vmem>>, vector<1x16xf32>,
    %add3A_178 = arith.constant 112 : i32
    %add3A_179 = arith.addi %mul3A_2, %add3A_178 : i32
    %add3A_180 = vector.broadcast %add3A_179 : i32 to vector<16xi32>
    %add3A_181 = arith.addi %add3A_180, %iota3A : vector<16xi32>
    %get3A_182 = arith.constant 112 : index
    %get3A_183 = tpu.vector_load %arg4[%get3A_182] {strides = array<i32>} : memref<256xi32, #tpu.memory_space<vmem>>, vector<16xi32>,
    %get3A_184 = vector.shape_cast %get3A_183 : vector<16xi32> to vector<16xi32>
    %mul3A_185 = arith.constant 32000 : i32
    %mul3A_186 = vector.broadcast %mul3A_185 : i32 to vector<16xi32>
    %mul3A_187 = arith.muli %add3A_181, %mul3A_186 : vector<16xi32>
    %add3A_188 = arith.addi %mul3A_187, %get3A_184 : vector<16xi32>
    %swap3A_189 = arith.constant 0 : i32
    %swap3A_190 = arith.index_cast %swap3A_189 : i32 to index
    %swap3A_191 = arith.constant 112 : index
    %swap3A_192 = tpu.vector_load %arg7[%swap3A_190, %swap3A_191] {strides = array<i32>} : memref<2x128xi32, #tpu.memory_space<vmem>>, vector<1x16xi32>,
    %swap3A_193 = vector.shape_cast %swap3A_192 : vector<1x16xi32> to vector<16xi32>
    %swap3A_194 = vector.shape_cast %add3A_188 : vector<16xi32> to vector<1x16xi32>
    tpu.vector_store %arg7[%swap3A_190, %swap3A_191], %swap3A_194 {strides = array<i32>} : memref<2x128xi32, #tpu.memory_space<vmem>>, vector<1x16xi32>,
    %swap3A_195 = arith.constant 0 : i32
    %swap3A_196 = arith.index_cast %swap3A_195 : i32 to index
    %swap3A_197 = arith.constant 112 : index
    %swap3A_198 = tpu.vector_load %arg8[%swap3A_196, %swap3A_197] {strides = array<i32>} : memref<2x128xf32, #tpu.memory_space<vmem>>, vector<1x16xf32>,
    %swap3A_199 = vector.shape_cast %swap3A_198 : vector<1x16xf32> to vector<16xf32>
    %swap3A_200 = vector.shape_cast %broadcast_in_dim3A_18 : vector<16xf32> to vector<1x16xf32>
    tpu.vector_store %arg8[%swap3A_196, %swap3A_197], %swap3A_200 {strides = array<i32>} : memref<2x128xf32, #tpu.memory_space<vmem>>, vector<1x16xf32>,
    %add3A_201 = arith.constant 128 : i32
    %add3A_202 = arith.addi %mul3A_2, %add3A_201 : i32
    %add3A_203 = vector.broadcast %add3A_202 : i32 to vector<16xi32>
    %add3A_204 = arith.addi %add3A_203, %iota3A : vector<16xi32>
    %get3A_205 = arith.constant 128 : index
    %get3A_206 = tpu.vector_load %arg4[%get3A_205] {strides = array<i32>} : memref<256xi32, #tpu.memory_space<vmem>>, vector<16xi32>,
    %get3A_207 = vector.shape_cast %get3A_206 : vector<16xi32> to vector<16xi32>
    %mul3A_208 = arith.constant 32000 : i32
    %mul3A_209 = vector.broadcast %mul3A_208 : i32 to vector<16xi32>
    %mul3A_210 = arith.muli %add3A_204, %mul3A_209 : vector<16xi32>
    %add3A_211 = arith.addi %mul3A_210, %get3A_207 : vector<16xi32>
    %swap3A_212 = arith.constant 1 : i32
    %swap3A_213 = arith.index_cast %swap3A_212 : i32 to index
    %swap3A_214 = arith.constant 0 : index
    %swap3A_215 = tpu.vector_load %arg7[%swap3A_213, %swap3A_214] {strides = array<i32>} : memref<2x128xi32, #tpu.memory_space<vmem>>, vector<1x16xi32>,
    %swap3A_216 = vector.shape_cast %swap3A_215 : vector<1x16xi32> to vector<16xi32>
    %swap3A_217 = vector.shape_cast %add3A_211 : vector<16xi32> to vector<1x16xi32>
    tpu.vector_store %arg7[%swap3A_213, %swap3A_214], %swap3A_217 {strides = array<i32>} : memref<2x128xi32, #tpu.memory_space<vmem>>, vector<1x16xi32>,
    %swap3A_218 = arith.constant 1 : i32
    %swap3A_219 = arith.index_cast %swap3A_218 : i32 to index
    %swap3A_220 = arith.constant 0 : index
    %swap3A_221 = tpu.vector_load %arg8[%swap3A_219, %swap3A_220] {strides = array<i32>} : memref<2x128xf32, #tpu.memory_space<vmem>>, vector<1x16xf32>,
    %swap3A_222 = vector.shape_cast %swap3A_221 : vector<1x16xf32> to vector<16xf32>
    %swap3A_223 = vector.shape_cast %broadcast_in_dim3A_18 : vector<16xf32> to vector<1x16xf32>
    tpu.vector_store %arg8[%swap3A_219, %swap3A_220], %swap3A_223 {strides = array<i32>} : memref<2x128xf32, #tpu.memory_space<vmem>>, vector<1x16xf32>,
    %add3A_224 = arith.constant 144 : i32
    %add3A_225 = arith.addi %mul3A_2, %add3A_224 : i32
    %add3A_226 = vector.broadcast %add3A_225 : i32 to vector<16xi32>
    %add3A_227 = arith.addi %add3A_226, %iota3A : vector<16xi32>
    %get3A_228 = arith.constant 144 : index
    %get3A_229 = tpu.vector_load %arg4[%get3A_228] {strides = array<i32>} : memref<256xi32, #tpu.memory_space<vmem>>, vector<16xi32>,
    %get3A_230 = vector.shape_cast %get3A_229 : vector<16xi32> to vector<16xi32>
    %mul3A_231 = arith.constant 32000 : i32
    %mul3A_232 = vector.broadcast %mul3A_231 : i32 to vector<16xi32>
    %mul3A_233 = arith.muli %add3A_227, %mul3A_232 : vector<16xi32>
    %add3A_234 = arith.addi %mul3A_233, %get3A_230 : vector<16xi32>
    %swap3A_235 = arith.constant 1 : i32
    %swap3A_236 = arith.index_cast %swap3A_235 : i32 to index
    %swap3A_237 = arith.constant 16 : index
    %swap3A_238 = tpu.vector_load %arg7[%swap3A_236, %swap3A_237] {strides = array<i32>} : memref<2x128xi32, #tpu.memory_space<vmem>>, vector<1x16xi32>,
    %swap3A_239 = vector.shape_cast %swap3A_238 : vector<1x16xi32> to vector<16xi32>
    %swap3A_240 = vector.shape_cast %add3A_234 : vector<16xi32> to vector<1x16xi32>
    tpu.vector_store %arg7[%swap3A_236, %swap3A_237], %swap3A_240 {strides = array<i32>} : memref<2x128xi32, #tpu.memory_space<vmem>>, vector<1x16xi32>,
    %swap3A_241 = arith.constant 1 : i32
    %swap3A_242 = arith.index_cast %swap3A_241 : i32 to index
    %swap3A_243 = arith.constant 16 : index
    %swap3A_244 = tpu.vector_load %arg8[%swap3A_242, %swap3A_243] {strides = array<i32>} : memref<2x128xf32, #tpu.memory_space<vmem>>, vector<1x16xf32>,
    %swap3A_245 = vector.shape_cast %swap3A_244 : vector<1x16xf32> to vector<16xf32>
    %swap3A_246 = vector.shape_cast %broadcast_in_dim3A_18 : vector<16xf32> to vector<1x16xf32>
    tpu.vector_store %arg8[%swap3A_242, %swap3A_243], %swap3A_246 {strides = array<i32>} : memref<2x128xf32, #tpu.memory_space<vmem>>, vector<1x16xf32>,
    %add3A_247 = arith.constant 160 : i32
    %add3A_248 = arith.addi %mul3A_2, %add3A_247 : i32
    %add3A_249 = vector.broadcast %add3A_248 : i32 to vector<16xi32>
    %add3A_250 = arith.addi %add3A_249, %iota3A : vector<16xi32>
    %get3A_251 = arith.constant 160 : index
    %get3A_252 = tpu.vector_load %arg4[%get3A_251] {strides = array<i32>} : memref<256xi32, #tpu.memory_space<vmem>>, vector<16xi32>,
    %get3A_253 = vector.shape_cast %get3A_252 : vector<16xi32> to vector<16xi32>
    %mul3A_254 = arith.constant 32000 : i32
    %mul3A_255 = vector.broadcast %mul3A_254 : i32 to vector<16xi32>
    %mul3A_256 = arith.muli %add3A_250, %mul3A_255 : vector<16xi32>
    %add3A_257 = arith.addi %mul3A_256, %get3A_253 : vector<16xi32>
    %swap3A_258 = arith.constant 1 : i32
    %swap3A_259 = arith.index_cast %swap3A_258 : i32 to index
    %swap3A_260 = arith.constant 32 : index
    %swap3A_261 = tpu.vector_load %arg7[%swap3A_259, %swap3A_260] {strides = array<i32>} : memref<2x128xi32, #tpu.memory_space<vmem>>, vector<1x16xi32>,
    %swap3A_262 = vector.shape_cast %swap3A_261 : vector<1x16xi32> to vector<16xi32>
    %swap3A_263 = vector.shape_cast %add3A_257 : vector<16xi32> to vector<1x16xi32>
    tpu.vector_store %arg7[%swap3A_259, %swap3A_260], %swap3A_263 {strides = array<i32>} : memref<2x128xi32, #tpu.memory_space<vmem>>, vector<1x16xi32>,
    %swap3A_264 = arith.constant 1 : i32
    %swap3A_265 = arith.index_cast %swap3A_264 : i32 to index
    %swap3A_266 = arith.constant 32 : index
    %swap3A_267 = tpu.vector_load %arg8[%swap3A_265, %swap3A_266] {strides = array<i32>} : memref<2x128xf32, #tpu.memory_space<vmem>>, vector<1x16xf32>,
    %swap3A_268 = vector.shape_cast %swap3A_267 : vector<1x16xf32> to vector<16xf32>
    %swap3A_269 = vector.shape_cast %broadcast_in_dim3A_18 : vector<16xf32> to vector<1x16xf32>
    tpu.vector_store %arg8[%swap3A_265, %swap3A_266], %swap3A_269 {strides = array<i32>} : memref<2x128xf32, #tpu.memory_space<vmem>>, vector<1x16xf32>,
    %add3A_270 = arith.constant 176 : i32
    %add3A_271 = arith.addi %mul3A_2, %add3A_270 : i32
    %add3A_272 = vector.broadcast %add3A_271 : i32 to vector<16xi32>
    %add3A_273 = arith.addi %add3A_272, %iota3A : vector<16xi32>
    %get3A_274 = arith.constant 176 : index
    %get3A_275 = tpu.vector_load %arg4[%get3A_274] {strides = array<i32>} : memref<256xi32, #tpu.memory_space<vmem>>, vector<16xi32>,
    %get3A_276 = vector.shape_cast %get3A_275 : vector<16xi32> to vector<16xi32>
    %mul3A_277 = arith.constant 32000 : i32
    %mul3A_278 = vector.broadcast %mul3A_277 : i32 to vector<16xi32>
    %mul3A_279 = arith.muli %add3A_273, %mul3A_278 : vector<16xi32>
    %add3A_280 = arith.addi %mul3A_279, %get3A_276 : vector<16xi32>
    %swap3A_281 = arith.constant 1 : i32
    %swap3A_282 = arith.index_cast %swap3A_281 : i32 to index
    %swap3A_283 = arith.constant 48 : index
    %swap3A_284 = tpu.vector_load %arg7[%swap3A_282, %swap3A_283] {strides = array<i32>} : memref<2x128xi32, #tpu.memory_space<vmem>>, vector<1x16xi32>,
    %swap3A_285 = vector.shape_cast %swap3A_284 : vector<1x16xi32> to vector<16xi32>
    %swap3A_286 = vector.shape_cast %add3A_280 : vector<16xi32> to vector<1x16xi32>
    tpu.vector_store %arg7[%swap3A_282, %swap3A_283], %swap3A_286 {strides = array<i32>} : memref<2x128xi32, #tpu.memory_space<vmem>>, vector<1x16xi32>,
    %swap3A_287 = arith.constant 1 : i32
    %swap3A_288 = arith.index_cast %swap3A_287 : i32 to index
    %swap3A_289 = arith.constant 48 : index
    %swap3A_290 = tpu.vector_load %arg8[%swap3A_288, %swap3A_289] {strides = array<i32>} : memref<2x128xf32, #tpu.memory_space<vmem>>, vector<1x16xf32>,
    %swap3A_291 = vector.shape_cast %swap3A_290 : vector<1x16xf32> to vector<16xf32>
    %swap3A_292 = vector.shape_cast %broadcast_in_dim3A_18 : vector<16xf32> to vector<1x16xf32>
    tpu.vector_store %arg8[%swap3A_288, %swap3A_289], %swap3A_292 {strides = array<i32>} : memref<2x128xf32, #tpu.memory_space<vmem>>, vector<1x16xf32>,
    %add3A_293 = arith.constant 192 : i32
    %add3A_294 = arith.addi %mul3A_2, %add3A_293 : i32
    %add3A_295 = vector.broadcast %add3A_294 : i32 to vector<16xi32>
    %add3A_296 = arith.addi %add3A_295, %iota3A : vector<16xi32>
    %get3A_297 = arith.constant 192 : index
    %get3A_298 = tpu.vector_load %arg4[%get3A_297] {strides = array<i32>} : memref<256xi32, #tpu.memory_space<vmem>>, vector<16xi32>,
    %get3A_299 = vector.shape_cast %get3A_298 : vector<16xi32> to vector<16xi32>
    %mul3A_300 = arith.constant 32000 : i32
    %mul3A_301 = vector.broadcast %mul3A_300 : i32 to vector<16xi32>
    %mul3A_302 = arith.muli %add3A_296, %mul3A_301 : vector<16xi32>
    %add3A_303 = arith.addi %mul3A_302, %get3A_299 : vector<16xi32>
    %swap3A_304 = arith.constant 1 : i32
    %swap3A_305 = arith.index_cast %swap3A_304 : i32 to index
    %swap3A_306 = arith.constant 64 : index
    %swap3A_307 = tpu.vector_load %arg7[%swap3A_305, %swap3A_306] {strides = array<i32>} : memref<2x128xi32, #tpu.memory_space<vmem>>, vector<1x16xi32>,
    %swap3A_308 = vector.shape_cast %swap3A_307 : vector<1x16xi32> to vector<16xi32>
    %swap3A_309 = vector.shape_cast %add3A_303 : vector<16xi32> to vector<1x16xi32>
    tpu.vector_store %arg7[%swap3A_305, %swap3A_306], %swap3A_309 {strides = array<i32>} : memref<2x128xi32, #tpu.memory_space<vmem>>, vector<1x16xi32>,
    %swap3A_310 = arith.constant 1 : i32
    %swap3A_311 = arith.index_cast %swap3A_310 : i32 to index
    %swap3A_312 = arith.constant 64 : index
    %swap3A_313 = tpu.vector_load %arg8[%swap3A_311, %swap3A_312] {strides = array<i32>} : memref<2x128xf32, #tpu.memory_space<vmem>>, vector<1x16xf32>,
    %swap3A_314 = vector.shape_cast %swap3A_313 : vector<1x16xf32> to vector<16xf32>
    %swap3A_315 = vector.shape_cast %broadcast_in_dim3A_18 : vector<16xf32> to vector<1x16xf32>
    tpu.vector_store %arg8[%swap3A_311, %swap3A_312], %swap3A_315 {strides = array<i32>} : memref<2x128xf32, #tpu.memory_space<vmem>>, vector<1x16xf32>,
    %add3A_316 = arith.constant 208 : i32
    %add3A_317 = arith.addi %mul3A_2, %add3A_316 : i32
    %add3A_318 = vector.broadcast %add3A_317 : i32 to vector<16xi32>
    %add3A_319 = arith.addi %add3A_318, %iota3A : vector<16xi32>
    %get3A_320 = arith.constant 208 : index
    %get3A_321 = tpu.vector_load %arg4[%get3A_320] {strides = array<i32>} : memref<256xi32, #tpu.memory_space<vmem>>, vector<16xi32>,
    %get3A_322 = vector.shape_cast %get3A_321 : vector<16xi32> to vector<16xi32>
    %mul3A_323 = arith.constant 32000 : i32
    %mul3A_324 = vector.broadcast %mul3A_323 : i32 to vector<16xi32>
    %mul3A_325 = arith.muli %add3A_319, %mul3A_324 : vector<16xi32>
    %add3A_326 = arith.addi %mul3A_325, %get3A_322 : vector<16xi32>
    %swap3A_327 = arith.constant 1 : i32
    %swap3A_328 = arith.index_cast %swap3A_327 : i32 to index
    %swap3A_329 = arith.constant 80 : index
    %swap3A_330 = tpu.vector_load %arg7[%swap3A_328, %swap3A_329] {strides = array<i32>} : memref<2x128xi32, #tpu.memory_space<vmem>>, vector<1x16xi32>,
    %swap3A_331 = vector.shape_cast %swap3A_330 : vector<1x16xi32> to vector<16xi32>
    %swap3A_332 = vector.shape_cast %add3A_326 : vector<16xi32> to vector<1x16xi32>
    tpu.vector_store %arg7[%swap3A_328, %swap3A_329], %swap3A_332 {strides = array<i32>} : memref<2x128xi32, #tpu.memory_space<vmem>>, vector<1x16xi32>,
    %swap3A_333 = arith.constant 1 : i32
    %swap3A_334 = arith.index_cast %swap3A_333 : i32 to index
    %swap3A_335 = arith.constant 80 : index
    %swap3A_336 = tpu.vector_load %arg8[%swap3A_334, %swap3A_335] {strides = array<i32>} : memref<2x128xf32, #tpu.memory_space<vmem>>, vector<1x16xf32>,
    %swap3A_337 = vector.shape_cast %swap3A_336 : vector<1x16xf32> to vector<16xf32>
    %swap3A_338 = vector.shape_cast %broadcast_in_dim3A_18 : vector<16xf32> to vector<1x16xf32>
    tpu.vector_store %arg8[%swap3A_334, %swap3A_335], %swap3A_338 {strides = array<i32>} : memref<2x128xf32, #tpu.memory_space<vmem>>, vector<1x16xf32>,
    %add3A_339 = arith.constant 224 : i32
    %add3A_340 = arith.addi %mul3A_2, %add3A_339 : i32
    %add3A_341 = vector.broadcast %add3A_340 : i32 to vector<16xi32>
    %add3A_342 = arith.addi %add3A_341, %iota3A : vector<16xi32>
    %get3A_343 = arith.constant 224 : index
    %get3A_344 = tpu.vector_load %arg4[%get3A_343] {strides = array<i32>} : memref<256xi32, #tpu.memory_space<vmem>>, vector<16xi32>,
    %get3A_345 = vector.shape_cast %get3A_344 : vector<16xi32> to vector<16xi32>
    %mul3A_346 = arith.constant 32000 : i32
    %mul3A_347 = vector.broadcast %mul3A_346 : i32 to vector<16xi32>
    %mul3A_348 = arith.muli %add3A_342, %mul3A_347 : vector<16xi32>
    %add3A_349 = arith.addi %mul3A_348, %get3A_345 : vector<16xi32>
    %swap3A_350 = arith.constant 1 : i32
    %swap3A_351 = arith.index_cast %swap3A_350 : i32 to index
    %swap3A_352 = arith.constant 96 : index
    %swap3A_353 = tpu.vector_load %arg7[%swap3A_351, %swap3A_352] {strides = array<i32>} : memref<2x128xi32, #tpu.memory_space<vmem>>, vector<1x16xi32>,
    %swap3A_354 = vector.shape_cast %swap3A_353 : vector<1x16xi32> to vector<16xi32>
    %swap3A_355 = vector.shape_cast %add3A_349 : vector<16xi32> to vector<1x16xi32>
    tpu.vector_store %arg7[%swap3A_351, %swap3A_352], %swap3A_355 {strides = array<i32>} : memref<2x128xi32, #tpu.memory_space<vmem>>, vector<1x16xi32>,
    %swap3A_356 = arith.constant 1 : i32
    %swap3A_357 = arith.index_cast %swap3A_356 : i32 to index
    %swap3A_358 = arith.constant 96 : index
    %swap3A_359 = tpu.vector_load %arg8[%swap3A_357, %swap3A_358] {strides = array<i32>} : memref<2x128xf32, #tpu.memory_space<vmem>>, vector<1x16xf32>,
    %swap3A_360 = vector.shape_cast %swap3A_359 : vector<1x16xf32> to vector<16xf32>
    %swap3A_361 = vector.shape_cast %broadcast_in_dim3A_18 : vector<16xf32> to vector<1x16xf32>
    tpu.vector_store %arg8[%swap3A_357, %swap3A_358], %swap3A_361 {strides = array<i32>} : memref<2x128xf32, #tpu.memory_space<vmem>>, vector<1x16xf32>,
    %add3A_362 = arith.constant 240 : i32
    %add3A_363 = arith.addi %mul3A_2, %add3A_362 : i32
    %add3A_364 = vector.broadcast %add3A_363 : i32 to vector<16xi32>
    %add3A_365 = arith.addi %add3A_364, %iota3A : vector<16xi32>
    %get3A_366 = arith.constant 240 : index
    %get3A_367 = tpu.vector_load %arg4[%get3A_366] {strides = array<i32>} : memref<256xi32, #tpu.memory_space<vmem>>, vector<16xi32>,
    %get3A_368 = vector.shape_cast %get3A_367 : vector<16xi32> to vector<16xi32>
    %mul3A_369 = arith.constant 32000 : i32
    %mul3A_370 = vector.broadcast %mul3A_369 : i32 to vector<16xi32>
    %mul3A_371 = arith.muli %add3A_365, %mul3A_370 : vector<16xi32>
    %add3A_372 = arith.addi %mul3A_371, %get3A_368 : vector<16xi32>
    %swap3A_373 = arith.constant 1 : i32
    %swap3A_374 = arith.index_cast %swap3A_373 : i32 to index
    %swap3A_375 = arith.constant 112 : index
    %swap3A_376 = tpu.vector_load %arg7[%swap3A_374, %swap3A_375] {strides = array<i32>} : memref<2x128xi32, #tpu.memory_space<vmem>>, vector<1x16xi32>,
    %swap3A_377 = vector.shape_cast %swap3A_376 : vector<1x16xi32> to vector<16xi32>
    %swap3A_378 = vector.shape_cast %add3A_372 : vector<16xi32> to vector<1x16xi32>
    tpu.vector_store %arg7[%swap3A_374, %swap3A_375], %swap3A_378 {strides = array<i32>} : memref<2x128xi32, #tpu.memory_space<vmem>>, vector<1x16xi32>,
    %swap3A_379 = arith.constant 1 : i32
    %swap3A_380 = arith.index_cast %swap3A_379 : i32 to index
    %swap3A_381 = arith.constant 112 : index
    %swap3A_382 = tpu.vector_load %arg8[%swap3A_380, %swap3A_381] {strides = array<i32>} : memref<2x128xf32, #tpu.memory_space<vmem>>, vector<1x16xf32>,
    %swap3A_383 = vector.shape_cast %swap3A_382 : vector<1x16xf32> to vector<16xf32>
    %swap3A_384 = vector.shape_cast %broadcast_in_dim3A_18 : vector<16xf32> to vector<1x16xf32>
    tpu.vector_store %arg8[%swap3A_380, %swap3A_381], %swap3A_384 {strides = array<i32>} : memref<2x128xf32, #tpu.memory_space<vmem>>, vector<1x16xf32>,
    %dma_start3A = arith.constant 0 : i32
    %dma_start3A_385 = arith.constant 0 : i32
    %dma_start3A_386 = arith.constant 0 : i32
    %dma_start3A_387 = tpu.memref_slice %arg8[%dma_start3A, %dma_start3A_386] : memref<2x128xf32, #tpu.memory_space<vmem>> -> memref<1x128xf32, #tpu.memory_space<vmem>>
    %dma_start3A_388 = tpu.memref_squeeze %dma_start3A_387 : memref<1x128xf32, #tpu.memory_space<vmem>> -> memref<128xf32, #tpu.memory_space<vmem>>
    %dma_start3A_389 = arith.constant 0 : i32
    %dma_start3A_390 = tpu.memref_slice %arg7[%dma_start3A_385, %dma_start3A_389] : memref<2x128xi32, #tpu.memory_space<vmem>> -> memref<1x128xi32, #tpu.memory_space<vmem>>
    %dma_start3A_391 = tpu.memref_squeeze %dma_start3A_390 : memref<1x128xi32, #tpu.memory_space<vmem>> -> memref<128xi32, #tpu.memory_space<vmem>>
    %dma_start3A_392 = arith.constant 0 : i32
    %dma_start3A_393 = tpu.memref_slice %arg3[%dma_start3A_392] : memref<262144000xf32, #tpu.memory_space<hbm>> -> memref<262144000xf32, #tpu.memory_space<hbm>>
    tpu.enqueue_indirect_dma source(%dma_start3A_388 : memref<128xf32, #tpu.memory_space<vmem>>) target(%dma_start3A_393 : memref<262144000xf32, #tpu.memory_space<hbm>>) offsets(%dma_start3A_391 : memref<128xi32, #tpu.memory_space<vmem>>) semaphore(%arg9 : memref<!tpu.dma_semaphore, #tpu.memory_space<semaphore_mem>>)
    %dma_start3A_394 = arith.constant 1 : i32
    %dma_start3A_395 = arith.constant 1 : i32
    %dma_start3A_396 = arith.constant 0 : i32
    %dma_start3A_397 = tpu.memref_slice %arg8[%dma_start3A_394, %dma_start3A_396] : memref<2x128xf32, #tpu.memory_space<vmem>> -> memref<1x128xf32, #tpu.memory_space<vmem>>
    %dma_start3A_398 = tpu.memref_squeeze %dma_start3A_397 : memref<1x128xf32, #tpu.memory_space<vmem>> -> memref<128xf32, #tpu.memory_space<vmem>>
    %dma_start3A_399 = arith.constant 0 : i32
    %dma_start3A_400 = tpu.memref_slice %arg7[%dma_start3A_395, %dma_start3A_399] : memref<2x128xi32, #tpu.memory_space<vmem>> -> memref<1x128xi32, #tpu.memory_space<vmem>>
    %dma_start3A_401 = tpu.memref_squeeze %dma_start3A_400 : memref<1x128xi32, #tpu.memory_space<vmem>> -> memref<128xi32, #tpu.memory_space<vmem>>
    %dma_start3A_402 = arith.constant 0 : i32
    %dma_start3A_403 = tpu.memref_slice %arg3[%dma_start3A_402] : memref<262144000xf32, #tpu.memory_space<hbm>> -> memref<262144000xf32, #tpu.memory_space<hbm>>
    tpu.enqueue_indirect_dma source(%dma_start3A_398 : memref<128xf32, #tpu.memory_space<vmem>>) target(%dma_start3A_403 : memref<262144000xf32, #tpu.memory_space<hbm>>) offsets(%dma_start3A_401 : memref<128xi32, #tpu.memory_space<vmem>>) semaphore(%arg9 : memref<!tpu.dma_semaphore, #tpu.memory_space<semaphore_mem>>)
    %dma_wait3A = arith.constant 0 : i32
    %dma_wait3A_404 = arith.constant 0 : i32
    %dma_wait3A_405 = arith.constant 0 : i32
    %dma_wait3A_406 = tpu.memref_slice %arg8[%dma_wait3A, %dma_wait3A_405] : memref<2x128xf32, #tpu.memory_space<vmem>> -> memref<1x128xf32, #tpu.memory_space<vmem>>
    %dma_wait3A_407 = tpu.memref_squeeze %dma_wait3A_406 : memref<1x128xf32, #tpu.memory_space<vmem>> -> memref<128xf32, #tpu.memory_space<vmem>>
    %dma_wait3A_408 = arith.constant 0 : i32
    %dma_wait3A_409 = tpu.memref_slice %arg7[%dma_wait3A_404, %dma_wait3A_408] : memref<2x128xi32, #tpu.memory_space<vmem>> -> memref<1x128xi32, #tpu.memory_space<vmem>>
    %dma_wait3A_410 = tpu.memref_squeeze %dma_wait3A_409 : memref<1x128xi32, #tpu.memory_space<vmem>> -> memref<128xi32, #tpu.memory_space<vmem>>
    %dma_wait3A_411 = arith.constant 0 : i32
    %dma_wait3A_412 = tpu.memref_slice %arg3[%dma_wait3A_411] : memref<262144000xf32, #tpu.memory_space<hbm>> -> memref<262144000xf32, #tpu.memory_space<hbm>>
    tpu.wait_indirect_dma semaphore(%arg9 : memref<!tpu.dma_semaphore, #tpu.memory_space<semaphore_mem>>) src(%dma_wait3A_407 : memref<128xf32, #tpu.memory_space<vmem>>) dst(%dma_wait3A_412 : memref<262144000xf32, #tpu.memory_space<hbm>>)
    %dma_wait3A_413 = arith.constant 1 : i32
    %dma_wait3A_414 = arith.constant 1 : i32
    %dma_wait3A_415 = arith.constant 0 : i32
    %dma_wait3A_416 = tpu.memref_slice %arg8[%dma_wait3A_413, %dma_wait3A_415] : memref<2x128xf32, #tpu.memory_space<vmem>> -> memref<1x128xf32, #tpu.memory_space<vmem>>
    %dma_wait3A_417 = tpu.memref_squeeze %dma_wait3A_416 : memref<1x128xf32, #tpu.memory_space<vmem>> -> memref<128xf32, #tpu.memory_space<vmem>>
    %dma_wait3A_418 = arith.constant 0 : i32
    %dma_wait3A_419 = tpu.memref_slice %arg7[%dma_wait3A_414, %dma_wait3A_418] : memref<2x128xi32, #tpu.memory_space<vmem>> -> memref<1x128xi32, #tpu.memory_space<vmem>>
    %dma_wait3A_420 = tpu.memref_squeeze %dma_wait3A_419 : memref<1x128xi32, #tpu.memory_space<vmem>> -> memref<128xi32, #tpu.memory_space<vmem>>
    %dma_wait3A_421 = arith.constant 0 : i32
    %dma_wait3A_422 = tpu.memref_slice %arg3[%dma_wait3A_421] : memref<262144000xf32, #tpu.memory_space<hbm>> -> memref<262144000xf32, #tpu.memory_space<hbm>>
    tpu.wait_indirect_dma semaphore(%arg9 : memref<!tpu.dma_semaphore, #tpu.memory_space<semaphore_mem>>) src(%dma_wait3A_417 : memref<128xf32, #tpu.memory_space<vmem>>) dst(%dma_wait3A_422 : memref<262144000xf32, #tpu.memory_space<hbm>>)
    return
  }
}

</mosaic_0001>

<sc_bundles>
// kernel: kernel.3.cloned.1.call-start
scs
__scs_entry_jumppad:
0x0: {  	(pc) =	sbr.rel $0x88, $3  }
0x1: {  	(tag) =	ssettag $0x0;
	lr =	simm.s32 $0x1  }
0x2: {  	[smem:$0x3FA0] =	sst lr;
	_ =	strace $0xD0000000  }
0x3: {  	_ = 	snop  }
0x4: {  	_ = 	snop  }
0x5: {  	_ = 	snop  }
0x6: {  	_ = 	snop  }
0x7: {  	_ = 	snop  }
__scs_overlays_trampoline_lowered:
0x8: {  	[smem:$0x3FAF] =	sst s0  }
0x9: {  	[smem:$0x3FB0] =	sst s1  }
0xa: {  	[smem:$0x3FB1] =	sst s2  }
0xb: {  	[smem:$0x3FB2] =	sst s3  }
0xc: {  	[smem:$0x3FB3] =	sst s4  }
0xd: {  	[smem:$0x3FB4] =	sst s5  }
0xe: {  	[smem:$0x3FB5] =	sst s6  }
0xf: {  	[smem:$0x3FB6] =	sst s7  }
0x10: {  	[smem:$0x3FB7] =	sst s8  }
0x11: {  	[smem:$0x3FB8] =	sst s9;
	s0 =	simm.s32 @!p0 $0x0  }
0x12: {  	s1 =	sld [smem:$0x3F9E];
	s0 =	simm.s32 @p0 $0x1  }
0x13: {  	[smem:$0x3FB9] =	sst s0;
	s0 =	simm.s32 @!p1 $0x0  }
0x14: {  	s2 =	sld [smem:$0x3F9D];
	s0 =	simm.s32 @p1 $0x1  }
0x15: {  	[smem:$0x3FBA] =	sst s0;
	s0 =	simm.s32 @!p2 $0x0  }
0x16: {  	s3 =	sld [smem:$0x3FDB];
	s0 =	simm.s32 @p2 $0x1  }
0x17: {  	s4 =	simm.s32 $0x1BF5;
	[smem:$0x3FBC] =	sst s0  }
0x18: {  	s0 =	sld [smem:$0x3F9F];
	_ =	swait.ge [sflag:s4], $0x0  }
0x19: {  	s7 =	sld [smem:$0x3FA0]  }
0x1a: {  	s8 =	sadd.s32 $0xFFFFE003, lr  }
0x1b: {  	s9 =	sadd.s32 $0xFFFFFEF7, lr;
	s5 =	simm.s32 $0xFFFFFFFF;
	p2 =	slt.u32 s8, $0xFFFFF086  }
0x1c: {  	p1 =	slt.u32 s9, $0xF7A;
	s5 =	simm.s32 @!p2 $0x0  }
0x1d: {  	s5 =	simm.s32 @p1 $0x1;
	p0 =	seq.s32 s7, s2  }
0x1e: {  	s7 =	smul.u32 @!p0 $0xF7A, s2;
	p2 =	seq.s32 @!p0 s5, $0x0  }
0x1f: {  	s9 =	smul.u32 $0xF7A, s1;
	s8 =	simm.s32 @!p0 $0x1BF5;
	p2 =	por !p2, p0  }
0x20: {  	[sflag:s8] =	ssyncset.s32 @!p0 $0xFFFFF086;
	s6 =	sadd.s32 @!p0 s3, s7;
	s7 =	simm.s32 @!p0 $0x108  }
0x21: {  	s3 =	sadd.s32 s3, s9;
	s6 =	sadd.s32 @!p0 $0x88, s6;
	s7 =	simm.s32 @p2 $0x1082  }
0x22: {  	[simem:s7], [sflag:s8] =	dma.local @!p0 [hbm:s6], $0xF7A  }
0x23: {  	s9 =	sor.u32 $0xD0000000, s2;
	s6 =	simm.s32 $0x108;
	_ =	swait.ge @!p0 [sflag:s8], $0x0  }
0x24: {  	s3 =	sadd.s32 $0x88, s3;
	s6 =	simm.s32 @!p1 $0x1082;
	[sflag:s4] =	ssyncset.s32 $0xFFFFF086  }
0x25: {  	[simem:s6], [sflag:s4] =	dma.local [hbm:s3], $0xF7A  }
0x26: {  	[smem:$0x3FA0] =	sst s1;
	(tag) =	ssettag s2;
	_ =	strace s9  }
0x27: {  	s1 =	sld [smem:$0x3FB0]  }
0x28: {  	s2 =	sld [smem:$0x3FB1]  }
0x29: {  	s4 =	sld [smem:$0x3FB3]  }
0x2a: {  	p0 =	seq.s32 s5, $0x0;
	s5 =	sld [smem:$0x3FB4]  }
0x2b: {  	s6 =	sld [smem:$0x3FB5]  }
0x2c: {  	s7 =	sld [smem:$0x3FB6]  }
0x2d: {  	s3 =	simm.s32 $0x108;
	s8 =	sld [smem:$0x3FB7]  }
0x2e: {  	s3 =	simm.s32 @!p0 $0x1082;
	s9 =	sld [smem:$0x3FB8]  }
0x2f: {  	lr =	sadd.s32 s0, s3;
	s0 =	sld [smem:$0x3FAF]  }
0x30: {  	s3 =	sld [smem:$0x3FB2]  }
0x31: {  	[smem:$0x3FBB] =	sst s10  }
0x32: {  	s10 =	sld [smem:$0x3FB9];
	_ =	sdelay $0x3  }
0x33: {  	p0 =	seq.s32 s10, $0x1;
	s10 =	sld [smem:$0x3FBB];
	_ =	sdelay $0x3  }
0x34: {  	[smem:$0x3FBB] =	sst s10  }
0x35: {  	s10 =	sld [smem:$0x3FBA];
	_ =	sdelay $0x3  }
0x36: {  	p1 =	seq.s32 s10, $0x1;
	s10 =	sld [smem:$0x3FBB];
	_ =	sdelay $0x3  }
0x37: {  	[smem:$0x3FBB] =	sst s10  }
0x38: {  	s10 =	sld [smem:$0x3FBC]  }
0x39: {  	_ = 	snop;
	(pc) =	sbr.ind lr, $3  }
0x3a: {  	_ = 	snop  }
0x3b: {  	_ = 	snop  }
0x3c: {  	p2 =	seq.s32 s10, $0x1;
	s10 =	sld [smem:$0x3FBB]  }
0x3d: {  	_ =	shalt  }
0x3e: {  	_ =	shalt  }
0x3f: {  	_ =	shalt  }
0x40: {  	_ =	shalt  }
0x41: {  	_ =	shalt  }
0x42: {  	_ =	shalt  }
0x43: {  	_ =	shalt  }
0x44: {  	_ =	shalt  }
0x45: {  	_ =	shalt  }
0x46: {  	_ =	shalt  }
0x47: {  	_ =	shalt  }
0x48: {  	_ =	shalt  }
0x49: {  	_ =	shalt  }
0x4a: {  	_ =	shalt  }
0x4b: {  	_ =	shalt  }
0x4c: {  	_ =	shalt  }
0x4d: {  	_ =	shalt  }
0x4e: {  	_ =	shalt  }
0x4f: {  	_ =	shalt  }
0x50: {  	_ =	shalt  }
0x51: {  	_ =	shalt  }
0x52: {  	_ =	shalt  }
0x53: {  	_ =	shalt  }
0x54: {  	_ =	shalt  }
0x55: {  	_ =	shalt  }
0x56: {  	_ =	shalt  }
0x57: {  	_ =	shalt  }
0x58: {  	_ =	shalt  }
0x59: {  	_ =	shalt  }
0x5a: {  	_ =	shalt  }
0x5b: {  	_ =	shalt  }
0x5c: {  	_ =	shalt  }
0x5d: {  	_ =	shalt  }
0x5e: {  	_ =	shalt  }
0x5f: {  	_ =	shalt  }
0x60: {  	_ =	shalt  }
0x61: {  	_ =	shalt  }
0x62: {  	_ =	shalt  }
0x63: {  	_ =	shalt  }
0x64: {  	_ =	shalt  }
0x65: {  	_ =	shalt  }
0x66: {  	_ =	shalt  }
0x67: {  	_ =	shalt  }
0x68: {  	_ =	shalt  }
0x69: {  	_ =	shalt  }
0x6a: {  	_ =	shalt  }
0x6b: {  	_ =	shalt  }
0x6c: {  	_ =	shalt  }
0x6d: {  	_ =	shalt  }
0x6e: {  	_ =	shalt  }
0x6f: {  	_ =	shalt  }
0x70: {  	_ =	shalt  }
0x71: {  	_ =	shalt  }
0x72: {  	_ =	shalt  }
0x73: {  	_ =	shalt  }
0x74: {  	_ =	shalt  }
0x75: {  	_ =	shalt  }
0x76: {  	_ =	shalt  }
0x77: {  	_ =	shalt  }
0x78: {  	_ =	shalt  }
0x79: {  	_ =	shalt  }
0x7a: {  	_ =	shalt  }
0x7b: {  	_ =	shalt  }
0x7c: {  	_ =	shalt  }
0x7d: {  	_ =	shalt  }
0x7e: {  	_ =	shalt  }
0x7f: {  	_ =	shalt  }
0x80: {  	_ =	shalt  }
0x81: {  	_ =	shalt  }
0x82: {  	_ =	shalt  }
0x83: {  	_ =	shalt  }
0x84: {  	_ =	shalt  }
0x85: {  	_ =	shalt  }
0x86: {  	_ =	shalt  }
0x87: {  	_ =	shalt  }
.Lfunc_end0:
.L_simem_size_0:
called_computation_lowered:
.L_overlay_start_0:
0x88: {  	s2 =	sld [smem:$0x3FD9]  }
0x89: {  	s3 =	sld [smem:$0x3FFE];
	_ =	sdelay $0x1  }
0x8a: {  	s1 =	srdreg.scid  }
0x8b: {  	s0 =	sand.u32 $0x1, s1  }
0x8c: {  	s17 =	sshll.u32 s0, $0xA;
	s2 =	sadd.s32 s3, s2  }
0x8d: {  	s2 =	sadd.s32 s2, s17  }
0x8e: {  	[smem:$0x3FC7] =	sst s2  }
0x8f: {  	_ = 	snop  }
0x90: {  	s2 =	sld [smem:$0x3FC9];
	(tm) =	ssettm $0x1  }
0x91: {  	s18 =	sld [smem:$0x3FFB];
	_ =	sdelay $0x3  }
0x92: {  	_ =	strace s18  }
0x93: {  	s3 =	sld [smem:$0x3FFC];
	_ =	sdelay $0x3  }
0x94: {  	_ =	strace s3  }
0x95: {  	s3 =	sld [smem:$0x3FFD];
	_ =	sdelay $0x3  }
0x96: {  	_ =	strace s3  }
0x97: {  	_ =	strace $0x8FFFFFFF  }
0x98: {  	s19 =	sld [smem:$0x3FDB];
	_ =	sdelay $0x1  }
0x99: {  	s4 =	simm.s32 $_scs_section_size  }
0x9a: {  	s5 =	simm.s32 $_size__tile_overlayer_lowered;
	s6 =	simm.s32 $_tile_overlayer_lowered  }
0x9b: {  	s22 =	simm.s32 $0x1BFF;
	s21 =	sshll.u32 s6, $0x1;
	s3 =	sadd.s32 s4, s19  }
0x9c: {  	s7 =	simm.s32 $0x0;
	s20 =	sshll.u32 s5, $0x1;
	s5 =	sadd.s32 s21, s3  }
0x9d: {  	[timem:s7], [sflag:s22] =	dma.local [hbm:s5], s20  }
0x9e: {  	_ =	swait.ge [sflag:s22], s20  }
0x9f: {  	s4 =	ssub.s32 $0x0, s20;
	[sflag:s22] =	ssyncset.done $0x0  }
0xa0: {  	[sflag:s22] =	ssyncadd.s32 s4;
	_ =	sdelay $0x1  }
0xa1: {  	s23 =	simm.s32 $0x1B8B  }
0xa2: {  	_ =	swait.ge [sflag:s23], $0x1  }
0xa3: {  	[sflag:s23] =	ssyncset.done $0x0  }
0xa4: {  	s25 =	simm.s32 $0x1B8E;
	s24 =	sld [smem:$0x3FFE];
	[sflag:s23] =	ssyncadd.s32 $0xFFFFFFFF  }
0xa5: {  	s26 =	simm.s32 $execute0_lowered;
	[smem:$0x3FD2] =	sst s25  }
0xa6: {  	s5 =	sshll.u32 s26, $0x1;
	_ =	strace $0x80000046;
	[dreg:$0x1] =	wrdreg $0xFFFFFFFF  }
0xa7: {  	s28 =	simm.s32 $_size_execute0_lowered;
	s3 =	sadd.s32 s3, s5;
	[dreg:$0x0] =	wrdreg $0x0  }
0xa8: {  	s5 =	sshll.u32 s28, $0x1;
	[dreg:$0x2] =	wrdreg s3  }
0xa9: {  	[dreg:$0x3] =	wrdreg s5  }
0xaa: {  	[dreg:$0x4] =	wrdreg $0xC0  }
0xab: {  	_ =	task [dreg:s7], $0x5FFFF  }
0xac: {  	[dreg:$0x1] =	wrdreg $0xFFFFFFFF  }
0xad: {  	[dreg:$0x0] =	wrdreg $0x60  }
0xae: {  	[dreg:$0x2] =	wrdreg s2  }
0xaf: {  	[dreg:$0x3] =	wrdreg s24  }
0xb0: {  	[dreg:$0x4] =	wrdreg $0x7E000  }
0xb1: {  	[dreg:$0x5] =	wrdreg $0x9  }
0xb2: {  	_ =	task.clear_ibuf [dreg:s7], $0x6FFFF;
	_ =	strace $0x90000046  }
0xb3: {  	s29 =	simm.s32 $0x9;
	_ =	strace $0x80000048  }
0xb4: {  	_ =	swait.ge [sflag:s29], $0x1  }
0xb5: {  	[sflag:s29] =	ssyncadd.s32 $0xFFFFFFFF  }
0xb6: {  	_ =	strace $0x90000048  }
0xb7: {  	_ =	sfence  }
0xb8: {  	s30 =	sld [smem:$0x0];
	_ =	sdelay $0x2  }
0xb9: {  	s31 =	sshll.u32 s1, $0xD;
	s1 =	sshrl.u32 s1, $0x2  }
0xba: {  	s3 =	sand.u32 $0x4000, s31;
	s1 =	sadd.s32 s1, s30  }
0xbb: {  	s0 =	sor.u32 s3, s0;
	s1 =	sshll.u32 s1, $0x11  }
0xbc: {  	s0 =	sor.u32 s1, s0  }
0xbd: {  	s0 =	sadd.s32 $0x8F2B, s0  }
0xbe: {  	[sflag:s0] =	ssyncadd.remote.s32 $0x1  }
0xbf: {  	_ =	sfence.sel $0xFFFF  }
0xc0: {  	[dreg:$0x0] =	wrdreg $0xFFFFFFFF;
	(pc) =	sbr.abs _section_cstart, $3  }
0xc1: {  	[dreg:$0x1] =	wrdreg $0xFFFFFFFF  }
0xc2: {  	_ =	task.clear_ibuf [dreg:s7], $0x2FFFF;
	_ =	strace $0x9FFFFFFF  }
0xc3: {  	(tm) =	ssettm $0x7FFFFFFF  }
tec
execute0_lowered:
.L_overlay_start_1:
0x0: {  	(tag) =	ssettag $0x1  }
0x1: {  	s0 =	srdreg.scid  }
0x2: {  	s11 =	stileid.u32;
	s3 =	sand.u32 $0x1, s0  }
0x3: {  	s17 =	sshll.u32 s11, $0x9;
	s1 =	sshll.u32 s3, $0x8  }
0x4: {  	s4 =	sor.u32 s1, s17  }
0x5: {  	v1 =	vlaneseq.u32;
	v0 =	vmov s4  }
0x6: {  	v17 =	vimm.f32 $8.999999760e-01;
	v15 =	vmul.u32 $0x7D00, v1;
	s0 =	sor.u32 $0x10, s4;
	s1 =	sor.u32 $0x20, s4;
	s18 =	sor.u32 $0x30, s4;
	v0 =	vmul.u32 $0x7D00, v0  }
0x7: {  	s20 =	sor.u32 $0x50, s4;
	s22 =	sor.u32 $0x70, s4;
	s23 =	sor.u32 $0x80, s4;
	v2 =	vmov s0;
	v3 =	vmov s1;
	v4 =	vmov s18  }
0x8: {  	s7 =	sor.u32 $0x90, s4;
	s24 =	sor.u32 $0xA0, s4;
	s9 =	sor.u32 $0xB0, s4;
	v6 =	vmov s20;
	v7 =	vmov s22;
	v8 =	vmov s23  }
0x9: {  	s26 =	sor.u32 $0xC0, s4;
	s28 =	sor.u32 $0xD0, s4;
	s29 =	sor.u32 $0xE0, s4;
	v9 =	vmov s7;
	v10 =	vmov s24;
	v11 =	vmov s9  }
0xa: {  	s31 =	sor.u32 $0xF0, s4;
	v12 =	vmov s26;
	v13 =	vmov s28;
	v14 =	vmov s29  }
0xb: {  	s19 =	sor.u32 $0x40, s4;
	v16 =	vmov s31;
	v2 =	vmul.u32 $0x7D00, v2;
	v3 =	vmul.u32 $0x7D00, v3  }
0xc: {  	v1 =	vmul.u32 $0x7D00, v4;
	v4 =	vmov s19;
	v6 =	vmul.u32 $0x7D00, v6  }
0xd: {  	v7 =	vmul.u32 $0x7D00, v7;
	v8 =	vmul.u32 $0x7D00, v8;
	v9 =	vmul.u32 $0x7D00, v9  }
0xe: {  	v10 =	vmul.u32 $0x7D00, v10;
	v11 =	vmul.u32 $0x7D00, v11;
	v0 =	vbroadcast v0, $0x0  }
0xf: {  	v12 =	vmul.u32 $0x7D00, v12;
	v2 =	vbroadcast v2, $0x0;
	v3 =	vbroadcast v3, $0x0  }
0x10: {  	s5 =	rddreg [dreg:$0x0];
	v13 =	vmul.u32 $0x7D00, v13;
	v5 =	vbroadcast v1, $0x0;
	v7 =	vbroadcast v7, $0x0  }
0x11: {  	s6 =	rddreg [dreg:$0x1];
	s2 =	simm.s32 $0x0;
	v14 =	vmul.u32 $0x7D00, v14;
	v8 =	vbroadcast v8, $0x0;
	v9 =	vbroadcast v9, $0x0  }
0x12: {  	s13 =	simm.s32 $0x1;
	s14 =	simm.s32 $0x80;
	s15 =	simm.s32 $0x9D40;
	v16 =	vmul.u32 $0x7D00, v16;
	v10 =	vbroadcast v10, $0x0;
	v11 =	vbroadcast v11, $0x0  }
0x13: {  	s16 =	simm.s32 $0x9E40;
	[smem:$0x7FF] =	sst s2;
	p0 =	sne.s32 s11, $0x0;
	v4 =	vmul.u32 $0x7D00, v4;
	v12 =	vbroadcast v12, $0x0;
	v13 =	vbroadcast v13, $0x0  }
0x14: {  	s11 =	sshll.u32 s11, $0x6;
	s8 =	ssub.s32 $0x2, s3;
	s3 =	sadd.s32 $0x400, s6;
	v14 =	vbroadcast v14, $0x0;
	v16 =	vbroadcast v16, $0x0;
	v0 =	vadd.s32 v15, v0  }
0x15: {  	s11 =	sor.u32 $0x1C01, s11;
	s25 =	sshrl.u32 s8, $0x1;
	s21 =	sor.u32 $0x60, s4;
	v4 =	vbroadcast v4, $0x0;
	v1 =	vadd.s32 v15, v2;
	v2 =	vadd.s32 v15, v3  }
0x16: {  	s17 =	simm.s32 $0x9DC0;
	s8 =	ssub.s32 s8, s25;
	s1 =	rddreg [dreg:$0x2];
	v3 =	vadd.s32 v15, v5;
	v5 =	vbroadcast v6, $0x0;
	v6 =	vmov s21  }
0x17: {  	s30 =	sshrl.u32 s4, $0x2;
	s10 =	sshrl.u32 s4, $0x3;
	s0 =	rddreg [dreg:$0x3];
	v7 =	vadd.s32 v15, v7;
	v8 =	vadd.s32 v15, v8;
	v6 =	vmul.u32 $0x7D00, v6  }
0x18: {  	_ =	strace $0x80000047;
	s9 =	smul.u32 $0x3E80, s30;
	s4 =	sadd.s32 s5, s10;
	v9 =	vadd.s32 v15, v9;
	v10 =	vadd.s32 v15, v10;
	v11 =	vadd.s32 v15, v11  }
0x19: {  	s8 =	smax.u32 s8, $0x1;
	s10 =	simm.s32 $0x2;
	s18 =	simm.s32 $0x9EC0;
	v12 =	vadd.s32 v15, v12;
	v13 =	vadd.s32 v15, v13;
	v6 =	vbroadcast v6, $0x0  }
0x1a: {  	s5 =	sadd.s32 $0x7D00, s1;
	s6 =	sadd.s32 $0xFA00, s1;
	s7 =	sadd.s32 $0x17700, s1;
	v14 =	vadd.s32 v15, v14;
	v4 =	vadd.s32 v15, v4;
	v5 =	vadd.s32 v15, v5  }
0x1b: {  	s12 =	sshrl.u32 s1, $0x3;
	s19 =	simm.s32 $0x0;
	s9 =	sadd.s32 s9, s3;
	v6 =	vadd.s32 v15, v6;
	v15 =	vadd.s32 v15, v16;
	v16 =	vimm.f32 $3.125195240e-06  }
.LBB2_1:
0x1c: {  	[tilespmem:s2], [sflag:$0x2] =	stream.linear.gather [hbm4b:s4+s2], $0x100, $0x38;
	[tilespmem:$0x9F40] =	vst v63  }
0x1d: {  	_ =	swait.ge [sflag:s10], $0x100  }
0x1e: {  	[sflag:s10] =	ssyncset.done $0x0  }
0x1f: {  	s20 =	simm.s32 $0x40;
	s21 =	simm.s32 $0x0;
	[sflag:s10] =	ssyncadd.s32 $0xFFFFFF00  }
.LBB2_2:
0x20: {  	p1 =	sne.s32 s20, $0x1F3C0;
	[tilespmem:s21+$0x100] =	vst v16;
	s21 =	smov.u32 s20;
	s20 =	sadd.s32 $0x40, s20  }
.Ltmp0:
0x21: {  	(pc) =	sbr.rel @p1 .LBB2_2-.Ltmp0, $2  }
0x22: {  	_ =	sdelay $0x2  }
0x23: {  	s21 =	sshra.s32 s21, $0x2  }
0x24: {  	[tilespmem:s21+$0x100] =	vst v16;
	s20 =	simm.s32 @!p0 $0x100;
	s21 =	simm.s32 @!p0 $0x2  }
0x25: {  	[spmem:s1] =	stream.linear.scatter @!p0 [tilespmem:s20], [sflag:$0x2], $0x7D00, $0x38;
	[tilespmem:$0x9F40] =	vst v63  }
0x26: {  	_ =	swait.ge @!p0 [sflag:s21], $0x7D00  }
0x27: {  	[sflag:s21] =	ssyncset.done @!p0 $0x0  }
0x28: {  	[sflag:s21] =	ssyncadd.s32 @!p0 $0xFFFF8300  }
0x29: {  	[spmem:s5] =	stream.linear.scatter @!p0 [tilespmem:s20], [sflag:$0x2], $0x7D00, $0x38;
	[tilespmem:$0x9F40] =	vst v63  }
0x2a: {  	_ =	swait.ge @!p0 [sflag:s21], $0x7D00  }
0x2b: {  	[sflag:s21] =	ssyncset.done @!p0 $0x0  }
0x2c: {  	[sflag:s21] =	ssyncadd.s32 @!p0 $0xFFFF8300  }
0x2d: {  	[spmem:s6] =	stream.linear.scatter @!p0 [tilespmem:s20], [sflag:$0x2], $0x7D00, $0x38;
	[tilespmem:$0x9F40] =	vst v63  }
0x2e: {  	_ =	swait.ge @!p0 [sflag:s21], $0x7D00  }
0x2f: {  	[sflag:s21] =	ssyncset.done @!p0 $0x0  }
0x30: {  	s30 =	sadd.s32 $0x0, s9;
	[sflag:s21] =	ssyncadd.s32 @!p0 $0xFFFF8300  }
0x31: {  	[spmem:s7] =	stream.linear.scatter @!p0 [tilespmem:s20], [sflag:$0x2], $0x7D00, $0x38;
	[tilespmem:$0x9F40] =	vst v63  }
0x32: {  	s31 =	sadd.s32 $0x3E80, s30;
	_ =	swait.ge @!p0 [sflag:s21], $0x7D00  }
0x33: {  	s22 =	sadd.s32 $0x7D00, s30;
	s23 =	sadd.s32 $0xBB80, s30;
	[sflag:s21] =	ssyncset.done @!p0 $0x0  }
0x34: {  	s24 =	sadd.s32 $0xFA00, s30;
	s25 =	sadd.s32 $0x13880, s30;
	[sflag:s21] =	ssyncadd.s32 @!p0 $0xFFFF8300  }
0x35: {  	s26 =	sadd.s32 $0x17700, s30;
	s28 =	sadd.s32 $0x1B580, s30;
	[bflag:$0x0] =	sbarrier.arrive $0xFFFF  }
0x36: {  	[hbm:s30], [sflag:s11] =	dma.local [spmem:s12], $0x3E80  }
0x37: {  	[hbm:s31], [sflag:s11] =	dma.local [spmem:s12], $0x3E80  }
0x38: {  	[hbm:s22], [sflag:s11] =	dma.local [spmem:s12], $0x3E80  }
0x39: {  	[hbm:s23], [sflag:s11] =	dma.local [spmem:s12], $0x3E80  }
0x3a: {  	[hbm:s24], [sflag:s11] =	dma.local [spmem:s12], $0x3E80  }
0x3b: {  	[hbm:s25], [sflag:s11] =	dma.local [spmem:s12], $0x3E80  }
0x3c: {  	[hbm:s26], [sflag:s11] =	dma.local [spmem:s12], $0x3E80  }
0x3d: {  	[hbm:s28], [sflag:s11] =	dma.local [spmem:s12], $0x3E80  }
0x3e: {  	_ =	swait.ge [sflag:s13], $0x3E80  }
0x3f: {  	[sflag:s13] =	ssyncset.done $0x0  }
0x40: {  	[sflag:s13] =	ssyncadd.s32 $0xFFFFC180  }
0x41: {  	_ =	swait.ge [sflag:s13], $0x3E80  }
0x42: {  	[sflag:s13] =	ssyncset.done $0x0  }
0x43: {  	[sflag:s13] =	ssyncadd.s32 $0xFFFFC180  }
0x44: {  	_ =	swait.ge [sflag:s13], $0x3E80  }
0x45: {  	[sflag:s13] =	ssyncset.done $0x0  }
0x46: {  	[sflag:s13] =	ssyncadd.s32 $0xFFFFC180  }
0x47: {  	_ =	swait.ge [sflag:s13], $0x3E80  }
0x48: {  	[sflag:s13] =	ssyncset.done $0x0  }
0x49: {  	[sflag:s13] =	ssyncadd.s32 $0xFFFFC180  }
0x4a: {  	_ =	swait.ge [sflag:s13], $0x3E80  }
0x4b: {  	[sflag:s13] =	ssyncset.done $0x0  }
0x4c: {  	[sflag:s13] =	ssyncadd.s32 $0xFFFFC180  }
0x4d: {  	_ =	swait.ge [sflag:s13], $0x3E80  }
0x4e: {  	[sflag:s13] =	ssyncset.done $0x0  }
0x4f: {  	[sflag:s13] =	ssyncadd.s32 $0xFFFFC180  }
0x50: {  	s20 =	simm.s32 $0x1F400;
	s22 =	simm.s32 $0x3E800;
	_ =	swait.ge [sflag:s13], $0x3E80  }
.LBB2_4:
0x51: {  	s23 =	sadd.s32 s20, s9  }
0x52: {  	[sflag:s13] =	ssyncset.done $0x0;
	s20 =	smov.u32 s22;
	s21 =	sadd.s32 $0x1F400, s22  }
0x53: {  	s24 =	sadd.s32 $0x3E80, s23;
	s25 =	sadd.s32 $0x7D00, s23;
	[sflag:s13] =	ssyncadd.s32 $0xFFFFC180  }
0x54: {  	s26 =	sadd.s32 $0xBB80, s23;
	s28 =	sadd.s32 $0xFA00, s23;
	_ =	swait.ge [sflag:s13], $0x3E80  }
0x55: {  	s29 =	sadd.s32 $0x13880, s23;
	s30 =	sadd.s32 $0x17700, s23;
	[sflag:s13] =	ssyncset.done $0x0  }
0x56: {  	p1 =	sne.s32 s22, $0xDAC00;
	s22 =	sadd.s32 $0x1B580, s23;
	[sflag:s13] =	ssyncadd.s32 $0xFFFFC180  }
0x57: {  	[hbm:s23], [sflag:s11] =	dma.local [spmem:s12], $0x3E80  }
0x58: {  	[hbm:s24], [sflag:s11] =	dma.local [spmem:s12], $0x3E80  }
0x59: {  	[hbm:s25], [sflag:s11] =	dma.local [spmem:s12], $0x3E80  }
0x5a: {  	[hbm:s26], [sflag:s11] =	dma.local [spmem:s12], $0x3E80  }
0x5b: {  	[hbm:s28], [sflag:s11] =	dma.local [spmem:s12], $0x3E80  }
0x5c: {  	[hbm:s29], [sflag:s11] =	dma.local [spmem:s12], $0x3E80  }
0x5d: {  	[hbm:s30], [sflag:s11] =	dma.local [spmem:s12], $0x3E80  }
0x5e: {  	[hbm:s22], [sflag:s11] =	dma.local [spmem:s12], $0x3E80  }
0x5f: {  	_ =	swait.ge [sflag:s13], $0x3E80  }
0x60: {  	[sflag:s13] =	ssyncset.done $0x0  }
0x61: {  	[sflag:s13] =	ssyncadd.s32 $0xFFFFC180  }
0x62: {  	_ =	swait.ge [sflag:s13], $0x3E80  }
0x63: {  	[sflag:s13] =	ssyncset.done $0x0  }
0x64: {  	[sflag:s13] =	ssyncadd.s32 $0xFFFFC180  }
0x65: {  	_ =	swait.ge [sflag:s13], $0x3E80  }
0x66: {  	[sflag:s13] =	ssyncset.done $0x0  }
0x67: {  	[sflag:s13] =	ssyncadd.s32 $0xFFFFC180  }
0x68: {  	_ =	swait.ge [sflag:s13], $0x3E80  }
0x69: {  	[sflag:s13] =	ssyncset.done $0x0  }
0x6a: {  	[sflag:s13] =	ssyncadd.s32 $0xFFFFC180  }
0x6b: {  	_ =	swait.ge [sflag:s13], $0x3E80  }
0x6c: {  	[sflag:s13] =	ssyncset.done $0x0  }
.Ltmp1:
0x6d: {  	[sflag:s13] =	ssyncadd.s32 $0xFFFFC180;
	(pc) =	sbr.rel @p1 .LBB2_4-.Ltmp1, $4  }
0x6e: {  	_ =	swait.ge [sflag:s13], $0x3E80  }
0x6f: {  	[sflag:s13] =	ssyncset.done $0x0  }
0x70: {  	[sflag:s13] =	ssyncadd.s32 $0xFFFFC180  }
0x71: {  	s22 =	smov.u32 s21;
	_ =	swait.ge [sflag:s13], $0x3E80  }
0x72: {  	s20 =	sadd.s32 s20, s9;
	[sflag:s13] =	ssyncset.done $0x0  }
0x73: {  	s21 =	sadd.s32 $0x3E80, s20;
	[sflag:s13] =	ssyncadd.s32 $0xFFFFC180  }
0x74: {  	s22 =	sadd.s32 $0x7D00, s20;
	s23 =	sadd.s32 $0xBB80, s20;
	_ =	swait.ge [sflag:s13], $0x3E80  }
0x75: {  	s24 =	sadd.s32 $0xFA00, s20;
	s25 =	sadd.s32 $0x13880, s20;
	[sflag:s13] =	ssyncset.done $0x0  }
0x76: {  	s26 =	sadd.s32 $0x17700, s20;
	s28 =	sadd.s32 $0x1B580, s20;
	[sflag:s13] =	ssyncadd.s32 $0xFFFFC180  }
0x77: {  	[hbm:s20], [sflag:s11] =	dma.local [spmem:s12], $0x3E80  }
0x78: {  	[hbm:s21], [sflag:s11] =	dma.local [spmem:s12], $0x3E80  }
0x79: {  	[hbm:s22], [sflag:s11] =	dma.local [spmem:s12], $0x3E80  }
0x7a: {  	[hbm:s23], [sflag:s11] =	dma.local [spmem:s12], $0x3E80  }
0x7b: {  	[hbm:s24], [sflag:s11] =	dma.local [spmem:s12], $0x3E80  }
0x7c: {  	[hbm:s25], [sflag:s11] =	dma.local [spmem:s12], $0x3E80  }
0x7d: {  	[hbm:s26], [sflag:s11] =	dma.local [spmem:s12], $0x3E80  }
0x7e: {  	[hbm:s28], [sflag:s11] =	dma.local [spmem:s12], $0x3E80  }
0x7f: {  	_ =	swait.ge [sflag:s13], $0x3E80  }
0x80: {  	[sflag:s13] =	ssyncset.done $0x0  }
0x81: {  	[sflag:s13] =	ssyncadd.s32 $0xFFFFC180  }
0x82: {  	_ =	swait.ge [sflag:s13], $0x3E80  }
0x83: {  	[sflag:s13] =	ssyncset.done $0x0  }
0x84: {  	[sflag:s13] =	ssyncadd.s32 $0xFFFFC180  }
0x85: {  	_ =	swait.ge [sflag:s13], $0x3E80  }
0x86: {  	[sflag:s13] =	ssyncset.done $0x0  }
0x87: {  	[sflag:s13] =	ssyncadd.s32 $0xFFFFC180  }
0x88: {  	_ =	swait.ge [sflag:s13], $0x3E80  }
0x89: {  	[sflag:s13] =	ssyncset.done $0x0  }
0x8a: {  	[sflag:s13] =	ssyncadd.s32 $0xFFFFC180  }
0x8b: {  	_ =	swait.ge [sflag:s13], $0x3E80  }
0x8c: {  	[sflag:s13] =	ssyncset.done $0x0  }
0x8d: {  	[sflag:s13] =	ssyncadd.s32 $0xFFFFC180  }
0x8e: {  	_ =	swait.ge [sflag:s13], $0x3E80  }
0x8f: {  	[sflag:s13] =	ssyncset.done $0x0  }
0x90: {  	[sflag:s13] =	ssyncadd.s32 $0xFFFFC180  }
0x91: {  	_ =	swait.ge [sflag:s13], $0x3E80  }
0x92: {  	[sflag:s13] =	ssyncset.done $0x0  }
0x93: {  	[sflag:s13] =	ssyncadd.s32 $0xFFFFC180  }
0x94: {  	_ =	swait.ge [sflag:s13], $0x3E80  }
0x95: {  	[sflag:s13] =	ssyncset.done $0x0  }
0x96: {  	[sflag:s13] =	ssyncadd.s32 $0xFFFFC180  }
0x97: {  	v18 =	vld [tilespmem:$0x0]  }
0x98: {  	v19 =	vld [tilespmem:$0x10]  }
0x99: {  	v20 =	vld [tilespmem:$0x20]  }
0x9a: {  	v21 =	vld [tilespmem:$0x30]  }
0x9b: {  	v22 =	vld [tilespmem:$0x40]  }
0x9c: {  	v23 =	vld [tilespmem:$0x50];
	[tilespmem:$0x9E40] =	vst v17;
	v18 =	vadd.s32 v18, v0  }
0x9d: {  	[tilespmem:$0x9D40] =	vst v18;
	v18 =	vadd.s32 v19, v1;
	v19 =	vld [tilespmem:$0x60]  }
0x9e: {  	v59 =	vld [tilespmem:$0x70];
	[tilespmem:$0x9D50] =	vst v18;
	v18 =	vadd.s32 v20, v2  }
0x9f: {  	v60 =	vld [tilespmem:$0x80];
	[tilespmem:$0x9D60] =	vst v18;
	v18 =	vadd.s32 v21, v3  }
0xa0: {  	v61 =	vld [tilespmem:$0x90];
	[tilespmem:$0x9D70] =	vst v18;
	v18 =	vadd.s32 v22, v4  }
0xa1: {  	v62 =	vld [tilespmem:$0xA0];
	[tilespmem:$0x9D80] =	vst v18;
	v18 =	vadd.s32 v23, v5  }
0xa2: {  	[tilespmem:$0x9D90] =	vst v18;
	v18 =	vadd.s32 v19, v6;
	v19 =	vld [tilespmem:$0xB0]  }
0xa3: {  	v63 =	vld [tilespmem:$0xC0];
	[tilespmem:$0x9DA0] =	vst v18;
	v18 =	vadd.s32 v59, v7  }
0xa4: {  	[tilespmem:$0x9DB0] =	vst v18;
	v18 =	vadd.s32 v60, v8  }
0xa5: {  	[tilespmem:$0x9DC0] =	vst v18;
	v18 =	vadd.s32 v61, v9  }
0xa6: {  	[tilespmem:$0x9DD0] =	vst v18;
	v18 =	vadd.s32 v62, v10  }
0xa7: {  	[tilespmem:$0x9DE0] =	vst v18;
	v18 =	vadd.s32 v19, v11  }
0xa8: {  	[tilespmem:$0x9DF0] =	vst v18;
	v18 =	vadd.s32 v63, v12  }
0xa9: {  	[tilespmem:$0x9E00] =	vst v18;
	v18 =	vld [tilespmem:$0xD0]  }
0xaa: {  	[tilespmem:$0x9E50] =	vst v17  }
0xab: {  	[tilespmem:$0x9E60] =	vst v17  }
0xac: {  	[tilespmem:$0x9E70] =	vst v17  }
0xad: {  	[tilespmem:$0x9E80] =	vst v17  }
0xae: {  	[tilespmem:$0x9E90] =	vst v17;
	v18 =	vadd.s32 v18, v13  }
0xaf: {  	[tilespmem:$0x9E10] =	vst v18;
	v18 =	vld [tilespmem:$0xE0]  }
0xb0: {  	[tilespmem:$0x9EA0] =	vst v17  }
0xb1: {  	[tilespmem:$0x9EB0] =	vst v17  }
0xb2: {  	[tilespmem:$0x9EC0] =	vst v17  }
0xb3: {  	[tilespmem:$0x9ED0] =	vst v17  }
0xb4: {  	[tilespmem:$0x9EE0] =	vst v17;
	v18 =	vadd.s32 v18, v14  }
0xb5: {  	[tilespmem:$0x9E20] =	vst v18;
	v18 =	vld [tilespmem:$0xF0]  }
0xb6: {  	[tilespmem:$0x9EF0] =	vst v17  }
0xb7: {  	[tilespmem:$0x9F00] =	vst v17  }
0xb8: {  	[tilespmem:$0x9F10] =	vst v17  }
0xb9: {  	[tilespmem:$0x9F20] =	vst v17  }
0xba: {  	[tilespmem:$0x9F30] =	vst v17;
	v18 =	vadd.s32 v18, v15  }
0xbb: {  	[tilespmem:$0x9E30] =	vst v18  }
0xbc: {  	[hbm4b:s3+s14] =	stream.indirect.scatter [tilespmem:s16], [sflag:$0x1], $0x1, s15, s14, $0xb8;
	[tilespmem:$0x9F40] =	vst v63  }
0xbd: {  	s19 =	sadd.s32 $0x1, s19  }
0xbe: {  	[hbm4b:s3+s14] =	stream.indirect.scatter [tilespmem:s18], [sflag:$0x1], $0x1, s17, s14, $0xb8;
	[tilespmem:$0x9F40] =	vst v63  }
0xbf: {  	p1 =	sne.s32 s19, s8;
	_ =	swait.ge [sflag:s13], $0x80  }
.Ltmp2:
0xc0: {  	[sflag:s13] =	ssyncset.done $0x0;
	(pc) =	sbr.rel @p1 .LBB2_1-.Ltmp2, $4  }
0xc1: {  	[sflag:s13] =	ssyncadd.s32 $0xFFFFFF80  }
0xc2: {  	_ =	swait.ge [sflag:s13], $0x80  }
0xc3: {  	[sflag:s13] =	ssyncset.done $0x0  }
0xc4: {  	[sflag:s13] =	ssyncadd.s32 $0xFFFFFF80  }
0xc5: {  	_ =	sfence.sel $0x180000  }
0xc6: {  	[bflag:$0x0] =	sbarrier.arrive $0xFFFF  }
0xc7: {  	_ =	strace $0x90000047  }
0xc8: {  	s0 =	sadd.s32 @!p0 $0x100000, s0;
	[bflag:$0x2] =	sbarrier.arrive $0xFFFF  }
0xc9: {  	[sflag:s0] =	ssyncadd.tile.s32 @!p0 $0x1;
	_ =	shalt  }
.Lfunc_end2:
_tile_overlayer_lowered:
.L_overlay_start_2:
0xca: {  	(tag) =	ssettag $0x2  }
0xcb: {  	s0 =	rddreg [dreg:$0x0];
	s2 =	stileid.u32  }
0xcc: {  	s1 =	rddreg [dreg:$0x1];
	p0 =	sne.s32 s2, $0x0  }
0xcd: {  	s3 =	rddreg [dreg:$0x2];
	[bflag:$0x3] =	sbarrier.arrive $0xFFFF;
	s2 =	simm.s32 @!p0 $0x1C02  }
0xce: {  	[timem:s3], [sflag:s2] =	dma.local @!p0 [hbm:s0], s1  }
0xcf: {  	s0 =	simm.s32 @!p0 $0x2  }
0xd0: {  	_ =	swait.ge @!p0 [sflag:s0], s1  }
0xd1: {  	s1 =	ssub.s32 @!p0 $0x0, s1;
	[sflag:s0] =	ssyncset.done @!p0 $0x0  }
0xd2: {  	[sflag:s0] =	ssyncadd.s32 @!p0 s1  }
0xd3: {  	[bflag:$0x3] =	sbarrier.arrive $0xFFFF  }
0xd4: {  	_ =	shalt  }

</sc_bundles>
